<compile_context>
chip_gen: v7x
topology: tpu7x:2x2x1
jax: 0.10.2.dev20260603
libtpu: 0.0.44.dev20260713+nightly
codegen_flags: <defaults>
</compile_context>

<pallas_src>
import functools

import jax
import jax.numpy as jnp
from jax import lax
from jax.experimental import pallas as pl
from jax.experimental.pallas import tpu as pltpu
from jax.experimental.pallas import tpu_sc as plsc

NA = 100000
NE = 6400000
C = 2048
NCHUNKS = NE // C
NC = 2
NS = 16
NW = NC * NS
NT = -(-NCHUNKS // NW)
ZR = 6256
ZR_LAST = NA - (NS - 1) * ZR


def _sc_body(pi_h, pj_h, d0_h, d1_h, d2_h, z_h, outp_h, outn_h,
             pib, pjb, dxb,
             px, py, pz, nx, ny, nz, sem):
    c = lax.axis_index("c")
    s = lax.axis_index("s")
    w = s * NC + c
    planes_p = (px, py, pz)
    planes_n = (nx, ny, nz)

    def init(off, ln):
        for a in planes_p + planes_n:
            pltpu.sync_copy(z_h.at[pl.ds(off, ln)], a.at[pl.ds(off, ln)])

    @pl.when(s < NS - 1)
    def _():
        init(s * ZR, ZR)

    @pl.when(s == NS - 1)
    def _():
        init((NS - 1) * ZR, ZR_LAST)

    plsc.subcore_barrier()

    def chunk_body(t, carry):
        k = t * NW + w

        @pl.when(k < NCHUNKS)
        def _():
            e0 = k * C
            pltpu.sync_copy(pi_h.at[pl.ds(e0, C)], pib)
            pltpu.sync_copy(pj_h.at[pl.ds(e0, C)], pjb)
            for j, dj_h in enumerate((d0_h, d1_h, d2_h)):
                pltpu.sync_copy(dj_h.at[pl.ds(e0, C)], dxb.at[j])
            descs = []
            for j in range(3):
                descs.append(pltpu.async_copy(
                    dxb.at[j], planes_p[j].at[pib], sem, add=True))
                descs.append(pltpu.async_copy(
                    dxb.at[j], planes_n[j].at[pjb], sem, add=True))
            for d in descs:
                d.wait()

        return carry

    lax.fori_loop(0, NT, chunk_body, 0)

    plsc.subcore_barrier()

    def drain(off, ln):
        for j in range(3):
            pltpu.sync_copy(planes_p[j].at[pl.ds(off, ln)],
                            outp_h.at[c, j, pl.ds(off, ln)])
            pltpu.sync_copy(planes_n[j].at[pl.ds(off, ln)],
                            outn_h.at[c, j, pl.ds(off, ln)])

    @pl.when(s < NS - 1)
    def _():
        drain(s * ZR, ZR)

    @pl.when(s == NS - 1)
    def _():
        drain((NS - 1) * ZR, ZR_LAST)


_sc_scatter = functools.partial(
    pl.kernel,
    out_type=[
        jax.ShapeDtypeStruct((NC, 3, NA), jnp.float32),
        jax.ShapeDtypeStruct((NC, 3, NA), jnp.float32),
    ],
    mesh=plsc.VectorSubcoreMesh(core_axis_name="c", subcore_axis_name="s"),
    compiler_params=pltpu.CompilerParams(use_tc_tiling_on_sc=False),
    scratch_types=[
        pltpu.VMEM((C,), jnp.int32),
        pltpu.VMEM((C,), jnp.int32),
        pltpu.VMEM((3, C), jnp.float32),
        pltpu.VMEM_SHARED((NA,), jnp.float32),
        pltpu.VMEM_SHARED((NA,), jnp.float32),
        pltpu.VMEM_SHARED((NA,), jnp.float32),
        pltpu.VMEM_SHARED((NA,), jnp.float32),
        pltpu.VMEM_SHARED((NA,), jnp.float32),
        pltpu.VMEM_SHARED((NA,), jnp.float32),
        pltpu.SemaphoreType.DMA,
    ],
)(_sc_body)


_CB = 8192


def _combine_body(p_ref, n_ref, o_ref):
    o_ref[...] = (p_ref[0:3] + p_ref[3:6]) - (n_ref[0:3] + n_ref[3:6])


_combine = pl.pallas_call(
    _combine_body,
    grid=(-(-NA // _CB),),
    in_specs=[
        pl.BlockSpec((NC * 3, _CB), lambda i: (0, i)),
        pl.BlockSpec((NC * 3, _CB), lambda i: (0, i)),
    ],
    out_specs=pl.BlockSpec((3, _CB), lambda i: (0, i)),
    out_shape=jax.ShapeDtypeStruct((3, NA), jnp.float32),
)


def kernel(dx, pair_i, pair_j):
    d0, d1, d2 = dx[:, 0], dx[:, 1], dx[:, 2]
    zeros = jnp.zeros((NA,), jnp.float32)
    part_p, part_n = _sc_scatter(pair_i, pair_j, d0, d1, d2, zeros)
    planes = _combine(part_p.reshape(NC * 3, NA), part_n.reshape(NC * 3, NA))
    return planes.T

# --- scband reference (transcript-rebuilt; emitter-appended) ---
"""Pipeline reference for scband-pair-force-68856915689635 (READ-ONLY COPY).

The authoritative reference and input builder live on the scoring server;
editing this copy changes nothing except your own understanding.
"""

import jax, jax.numpy as jnp
import numpy as np

N_ATOMS = 100000
N_EDGES = 6400000


def pair_energy(dx):
    # per-pair scalar energy fx as a differentiable function of the pair vector dx.
    # In the torch module fx arrives already linked to dx through the autograd graph;
    # here we materialize that link explicitly with a simple harmonic pair energy.
    return 0.5 * jnp.sum(dx * dx, axis=-1)


def setup_inputs(seed: int = 0) -> dict:
    key = jax.random.key(seed)
    k1, k2, k3 = jax.random.split(key, 3)
    dx = jax.random.normal(k1, (N_EDGES, 3), dtype=jnp.float32)
    pair_i = jax.random.randint(k2, (N_EDGES,), 0, N_ATOMS, dtype=jnp.int32)
    pair_j = jax.random.randint(k3, (N_EDGES,), 0, N_ATOMS, dtype=jnp.int32)
    # guarantee the max atom id is present so the output shape is deterministic
    pair_i = pair_i.at[0].set(N_ATOMS - 1)
    pair_j = pair_j.at[1].set(N_ATOMS - 1)
    return {"dx": dx, "pair_i": pair_i, "pair_j": pair_j}


def reference(dx, pair_i, pair_j):
    # dfdx = d( sum(fx) ) / d(dx)   (torch.autograd.grad equivalent)
    def total_energy(d):
        return jnp.sum(pair_energy(d))

    dfdx = jax.grad(total_energy)(dx)

    # setup_inputs pins N_ATOMS - 1 into both pair_i and pair_j on every seed,
    # so max(pair_i.max(), pair_j.max()) + 1 == N_ATOMS statically.
    n_atoms = N_ATOMS
    atom_force = jnp.zeros((n_atoms, 3), dtype=dfdx.dtype)
    # torch.index_add(atom_force, 0, pair_i, dfdx)
    atom_force = atom_force.at[pair_i].add(dfdx)
    # torch.index_add(atom_force, 0, pair_j, dfdx, alpha=-1)
    atom_force = atom_force.at[pair_j].add(-dfdx)
    return atom_force

if __name__ == "__main__":
    import jax
    _d = setup_inputs()
    print(jax.jit(kernel)(*tuple(_d.values())))

</pallas_src>

<mosaic_0001>
#map = affine_map<(d0, d1) -> (0)>
#map1 = affine_map<(d0, d1) -> (0, 0, 0)>
module attributes {stable_mosaic.version = 14 : i64} {
  func.func @_sc_body(%arg0: i32, %arg1: i32, %arg2: memref<6400000xi32, #tpu.memory_space<hbm>>, %arg3: memref<6400000xi32, #tpu.memory_space<hbm>>, %arg4: memref<6400000xf32, #tpu.memory_space<hbm>>, %arg5: memref<6400000xf32, #tpu.memory_space<hbm>>, %arg6: memref<6400000xf32, #tpu.memory_space<hbm>>, %arg7: memref<100000xf32, #tpu.memory_space<hbm>>, %arg8: memref<2x3x100000xf32, #tpu.memory_space<hbm>>, %arg9: memref<2x3x100000xf32, #tpu.memory_space<hbm>>, %arg10: memref<2048xi32, #tpu.memory_space<vmem>>, %arg11: memref<2048xi32, #tpu.memory_space<vmem>>, %arg12: memref<3x2048xf32, #tpu.memory_space<vmem>>, %arg13: memref<100000xf32, #tpu.memory_space<vmem_shared>>, %arg14: memref<100000xf32, #tpu.memory_space<vmem_shared>>, %arg15: memref<100000xf32, #tpu.memory_space<vmem_shared>>, %arg16: memref<100000xf32, #tpu.memory_space<vmem_shared>>, %arg17: memref<100000xf32, #tpu.memory_space<vmem_shared>>, %arg18: memref<100000xf32, #tpu.memory_space<vmem_shared>>, %arg19: memref<!tpu.dma_semaphore, #tpu.memory_space<semaphore_mem>>) attributes {dimension_semantics = [#tpu.dimension_semantics<core_parallel>, #tpu.dimension_semantics<subcore_parallel>], iteration_bounds = array<i64: 2, 16>, scalar_prefetch = 0 : i64, scratch_operands = 10 : i64, tpu.core_type = #tpu.core_type<sc_vector_subcore>, window_params = [{transform_indices = #map}, {transform_indices = #map}, {transform_indices = #map}, {transform_indices = #map}, {transform_indices = #map}, {transform_indices = #map}, {transform_indices = #map1}, {transform_indices = #map1}]} {
    %mul3A = arith.constant 2 : i32
    %mul3A_0 = arith.muli %arg1, %mul3A : i32
    %add3A = arith.addi %mul3A_0, %arg0 : i32
    %lt3A = arith.constant 15 : i32
    %lt3A_1 = arith.cmpi slt, %arg1, %lt3A : i32
    %convert_element_type3A = arith.extui %lt3A_1 : i1 to i32
    %cond3A = arith.constant 0 : i32
    %cond3A_2 = arith.cmpi ne, %convert_element_type3A, %cond3A : i32
    scf.if %cond3A_2 {
      %mul3A_23 = arith.constant 6256 : i32
      %mul3A_24 = arith.muli %arg1, %mul3A_23 : i32
      "tpu.region"() ({
        %run_scoped3A = tpu.sem_alloc : memref<!tpu.dma_semaphore, #tpu.memory_space<semaphore_mem>>
        %dma_start3A = tpu.memref_slice %arg13[%mul3A_24] : memref<100000xf32, #tpu.memory_space<vmem_shared>> -> memref<6256xf32, #tpu.memory_space<vmem_shared>>
        %dma_start3A_25 = tpu.memref_slice %arg7[%mul3A_24] : memref<100000xf32, #tpu.memory_space<hbm>> -> memref<6256xf32, #tpu.memory_space<hbm>>
        tpu.enqueue_dma source(%dma_start3A_25 : memref<6256xf32, #tpu.memory_space<hbm>>) target(%dma_start3A : memref<6256xf32, #tpu.memory_space<vmem_shared>>) target_semaphore(%run_scoped3A : memref<!tpu.dma_semaphore, #tpu.memory_space<semaphore_mem>>)
        %dma_wait3A = tpu.memref_slice %arg13[%mul3A_24] : memref<100000xf32, #tpu.memory_space<vmem_shared>> -> memref<6256xf32, #tpu.memory_space<vmem_shared>>
        %dma_wait3A_26 = tpu.memref_slice %arg7[%mul3A_24] : memref<100000xf32, #tpu.memory_space<hbm>> -> memref<6256xf32, #tpu.memory_space<hbm>>
        tpu.wait_dma2 semaphore(%run_scoped3A : memref<!tpu.dma_semaphore, #tpu.memory_space<semaphore_mem>>) src(%dma_wait3A_26 : memref<6256xf32, #tpu.memory_space<hbm>>) dst(%dma_wait3A : memref<6256xf32, #tpu.memory_space<vmem_shared>>)
        tpu.yield
      }) : () -> ()
      "tpu.region"() ({
        %run_scoped3A = tpu.sem_alloc : memref<!tpu.dma_semaphore, #tpu.memory_space<semaphore_mem>>
        %dma_start3A = tpu.memref_slice %arg14[%mul3A_24] : memref<100000xf32, #tpu.memory_space<vmem_shared>> -> memref<6256xf32, #tpu.memory_space<vmem_shared>>
        %dma_start3A_25 = tpu.memref_slice %arg7[%mul3A_24] : memref<100000xf32, #tpu.memory_space<hbm>> -> memref<6256xf32, #tpu.memory_space<hbm>>
        tpu.enqueue_dma source(%dma_start3A_25 : memref<6256xf32, #tpu.memory_space<hbm>>) target(%dma_start3A : memref<6256xf32, #tpu.memory_space<vmem_shared>>) target_semaphore(%run_scoped3A : memref<!tpu.dma_semaphore, #tpu.memory_space<semaphore_mem>>)
        %dma_wait3A = tpu.memref_slice %arg14[%mul3A_24] : memref<100000xf32, #tpu.memory_space<vmem_shared>> -> memref<6256xf32, #tpu.memory_space<vmem_shared>>
        %dma_wait3A_26 = tpu.memref_slice %arg7[%mul3A_24] : memref<100000xf32, #tpu.memory_space<hbm>> -> memref<6256xf32, #tpu.memory_space<hbm>>
        tpu.wait_dma2 semaphore(%run_scoped3A : memref<!tpu.dma_semaphore, #tpu.memory_space<semaphore_mem>>) src(%dma_wait3A_26 : memref<6256xf32, #tpu.memory_space<hbm>>) dst(%dma_wait3A : memref<6256xf32, #tpu.memory_space<vmem_shared>>)
        tpu.yield
      }) : () -> ()
      "tpu.region"() ({
        %run_scoped3A = tpu.sem_alloc : memref<!tpu.dma_semaphore, #tpu.memory_space<semaphore_mem>>
        %dma_start3A = tpu.memref_slice %arg15[%mul3A_24] : memref<100000xf32, #tpu.memory_space<vmem_shared>> -> memref<6256xf32, #tpu.memory_space<vmem_shared>>
        %dma_start3A_25 = tpu.memref_slice %arg7[%mul3A_24] : memref<100000xf32, #tpu.memory_space<hbm>> -> memref<6256xf32, #tpu.memory_space<hbm>>
        tpu.enqueue_dma source(%dma_start3A_25 : memref<6256xf32, #tpu.memory_space<hbm>>) target(%dma_start3A : memref<6256xf32, #tpu.memory_space<vmem_shared>>) target_semaphore(%run_scoped3A : memref<!tpu.dma_semaphore, #tpu.memory_space<semaphore_mem>>)
        %dma_wait3A = tpu.memref_slice %arg15[%mul3A_24] : memref<100000xf32, #tpu.memory_space<vmem_shared>> -> memref<6256xf32, #tpu.memory_space<vmem_shared>>
        %dma_wait3A_26 = tpu.memref_slice %arg7[%mul3A_24] : memref<100000xf32, #tpu.memory_space<hbm>> -> memref<6256xf32, #tpu.memory_space<hbm>>
        tpu.wait_dma2 semaphore(%run_scoped3A : memref<!tpu.dma_semaphore, #tpu.memory_space<semaphore_mem>>) src(%dma_wait3A_26 : memref<6256xf32, #tpu.memory_space<hbm>>) dst(%dma_wait3A : memref<6256xf32, #tpu.memory_space<vmem_shared>>)
        tpu.yield
      }) : () -> ()
      "tpu.region"() ({
        %run_scoped3A = tpu.sem_alloc : memref<!tpu.dma_semaphore, #tpu.memory_space<semaphore_mem>>
        %dma_start3A = tpu.memref_slice %arg16[%mul3A_24] : memref<100000xf32, #tpu.memory_space<vmem_shared>> -> memref<6256xf32, #tpu.memory_space<vmem_shared>>
        %dma_start3A_25 = tpu.memref_slice %arg7[%mul3A_24] : memref<100000xf32, #tpu.memory_space<hbm>> -> memref<6256xf32, #tpu.memory_space<hbm>>
        tpu.enqueue_dma source(%dma_start3A_25 : memref<6256xf32, #tpu.memory_space<hbm>>) target(%dma_start3A : memref<6256xf32, #tpu.memory_space<vmem_shared>>) target_semaphore(%run_scoped3A : memref<!tpu.dma_semaphore, #tpu.memory_space<semaphore_mem>>)
        %dma_wait3A = tpu.memref_slice %arg16[%mul3A_24] : memref<100000xf32, #tpu.memory_space<vmem_shared>> -> memref<6256xf32, #tpu.memory_space<vmem_shared>>
        %dma_wait3A_26 = tpu.memref_slice %arg7[%mul3A_24] : memref<100000xf32, #tpu.memory_space<hbm>> -> memref<6256xf32, #tpu.memory_space<hbm>>
        tpu.wait_dma2 semaphore(%run_scoped3A : memref<!tpu.dma_semaphore, #tpu.memory_space<semaphore_mem>>) src(%dma_wait3A_26 : memref<6256xf32, #tpu.memory_space<hbm>>) dst(%dma_wait3A : memref<6256xf32, #tpu.memory_space<vmem_shared>>)
        tpu.yield
      }) : () -> ()
      "tpu.region"() ({
        %run_scoped3A = tpu.sem_alloc : memref<!tpu.dma_semaphore, #tpu.memory_space<semaphore_mem>>
        %dma_start3A = tpu.memref_slice %arg17[%mul3A_24] : memref<100000xf32, #tpu.memory_space<vmem_shared>> -> memref<6256xf32, #tpu.memory_space<vmem_shared>>
        %dma_start3A_25 = tpu.memref_slice %arg7[%mul3A_24] : memref<100000xf32, #tpu.memory_space<hbm>> -> memref<6256xf32, #tpu.memory_space<hbm>>
        tpu.enqueue_dma source(%dma_start3A_25 : memref<6256xf32, #tpu.memory_space<hbm>>) target(%dma_start3A : memref<6256xf32, #tpu.memory_space<vmem_shared>>) target_semaphore(%run_scoped3A : memref<!tpu.dma_semaphore, #tpu.memory_space<semaphore_mem>>)
        %dma_wait3A = tpu.memref_slice %arg17[%mul3A_24] : memref<100000xf32, #tpu.memory_space<vmem_shared>> -> memref<6256xf32, #tpu.memory_space<vmem_shared>>
        %dma_wait3A_26 = tpu.memref_slice %arg7[%mul3A_24] : memref<100000xf32, #tpu.memory_space<hbm>> -> memref<6256xf32, #tpu.memory_space<hbm>>
        tpu.wait_dma2 semaphore(%run_scoped3A : memref<!tpu.dma_semaphore, #tpu.memory_space<semaphore_mem>>) src(%dma_wait3A_26 : memref<6256xf32, #tpu.memory_space<hbm>>) dst(%dma_wait3A : memref<6256xf32, #tpu.memory_space<vmem_shared>>)
        tpu.yield
      }) : () -> ()
      "tpu.region"() ({
        %run_scoped3A = tpu.sem_alloc : memref<!tpu.dma_semaphore, #tpu.memory_space<semaphore_mem>>
        %dma_start3A = tpu.memref_slice %arg18[%mul3A_24] : memref<100000xf32, #tpu.memory_space<vmem_shared>> -> memref<6256xf32, #tpu.memory_space<vmem_shared>>
        %dma_start3A_25 = tpu.memref_slice %arg7[%mul3A_24] : memref<100000xf32, #tpu.memory_space<hbm>> -> memref<6256xf32, #tpu.memory_space<hbm>>
        tpu.enqueue_dma source(%dma_start3A_25 : memref<6256xf32, #tpu.memory_space<hbm>>) target(%dma_start3A : memref<6256xf32, #tpu.memory_space<vmem_shared>>) target_semaphore(%run_scoped3A : memref<!tpu.dma_semaphore, #tpu.memory_space<semaphore_mem>>)
        %dma_wait3A = tpu.memref_slice %arg18[%mul3A_24] : memref<100000xf32, #tpu.memory_space<vmem_shared>> -> memref<6256xf32, #tpu.memory_space<vmem_shared>>
        %dma_wait3A_26 = tpu.memref_slice %arg7[%mul3A_24] : memref<100000xf32, #tpu.memory_space<hbm>> -> memref<6256xf32, #tpu.memory_space<hbm>>
        tpu.wait_dma2 semaphore(%run_scoped3A : memref<!tpu.dma_semaphore, #tpu.memory_space<semaphore_mem>>) src(%dma_wait3A_26 : memref<6256xf32, #tpu.memory_space<hbm>>) dst(%dma_wait3A : memref<6256xf32, #tpu.memory_space<vmem_shared>>)
        tpu.yield
      }) : () -> ()
    } else {
    }
    %eq3A = arith.constant 15 : i32
    %eq3A_3 = arith.cmpi eq, %arg1, %eq3A : i32
    %convert_element_type3A_4 = arith.extui %eq3A_3 : i1 to i32
    %cond3A_5 = arith.constant 0 : i32
    %cond3A_6 = arith.cmpi ne, %convert_element_type3A_4, %cond3A_5 : i32
    scf.if %cond3A_6 {
      "tpu.region"() ({
        %run_scoped3A = tpu.sem_alloc : memref<!tpu.dma_semaphore, #tpu.memory_space<semaphore_mem>>
        %dma_start3A = arith.constant 93840 : i32
        %dma_start3A_23 = tpu.memref_slice %arg13[%dma_start3A] : memref<100000xf32, #tpu.memory_space<vmem_shared>> -> memref<6160xf32, #tpu.memory_space<vmem_shared>>
        %dma_start3A_24 = arith.constant 93840 : i32
        %dma_start3A_25 = tpu.memref_slice %arg7[%dma_start3A_24] : memref<100000xf32, #tpu.memory_space<hbm>> -> memref<6160xf32, #tpu.memory_space<hbm>>
        tpu.enqueue_dma source(%dma_start3A_25 : memref<6160xf32, #tpu.memory_space<hbm>>) target(%dma_start3A_23 : memref<6160xf32, #tpu.memory_space<vmem_shared>>) target_semaphore(%run_scoped3A : memref<!tpu.dma_semaphore, #tpu.memory_space<semaphore_mem>>)
        %dma_wait3A = arith.constant 93840 : i32
        %dma_wait3A_26 = tpu.memref_slice %arg13[%dma_wait3A] : memref<100000xf32, #tpu.memory_space<vmem_shared>> -> memref<6160xf32, #tpu.memory_space<vmem_shared>>
        %dma_wait3A_27 = arith.constant 93840 : i32
        %dma_wait3A_28 = tpu.memref_slice %arg7[%dma_wait3A_27] : memref<100000xf32, #tpu.memory_space<hbm>> -> memref<6160xf32, #tpu.memory_space<hbm>>
        tpu.wait_dma2 semaphore(%run_scoped3A : memref<!tpu.dma_semaphore, #tpu.memory_space<semaphore_mem>>) src(%dma_wait3A_28 : memref<6160xf32, #tpu.memory_space<hbm>>) dst(%dma_wait3A_26 : memref<6160xf32, #tpu.memory_space<vmem_shared>>)
        tpu.yield
      }) : () -> ()
      "tpu.region"() ({
        %run_scoped3A = tpu.sem_alloc : memref<!tpu.dma_semaphore, #tpu.memory_space<semaphore_mem>>
        %dma_start3A = arith.constant 93840 : i32
        %dma_start3A_23 = tpu.memref_slice %arg14[%dma_start3A] : memref<100000xf32, #tpu.memory_space<vmem_shared>> -> memref<6160xf32, #tpu.memory_space<vmem_shared>>
        %dma_start3A_24 = arith.constant 93840 : i32
        %dma_start3A_25 = tpu.memref_slice %arg7[%dma_start3A_24] : memref<100000xf32, #tpu.memory_space<hbm>> -> memref<6160xf32, #tpu.memory_space<hbm>>
        tpu.enqueue_dma source(%dma_start3A_25 : memref<6160xf32, #tpu.memory_space<hbm>>) target(%dma_start3A_23 : memref<6160xf32, #tpu.memory_space<vmem_shared>>) target_semaphore(%run_scoped3A : memref<!tpu.dma_semaphore, #tpu.memory_space<semaphore_mem>>)
        %dma_wait3A = arith.constant 93840 : i32
        %dma_wait3A_26 = tpu.memref_slice %arg14[%dma_wait3A] : memref<100000xf32, #tpu.memory_space<vmem_shared>> -> memref<6160xf32, #tpu.memory_space<vmem_shared>>
        %dma_wait3A_27 = arith.constant 93840 : i32
        %dma_wait3A_28 = tpu.memref_slice %arg7[%dma_wait3A_27] : memref<100000xf32, #tpu.memory_space<hbm>> -> memref<6160xf32, #tpu.memory_space<hbm>>
        tpu.wait_dma2 semaphore(%run_scoped3A : memref<!tpu.dma_semaphore, #tpu.memory_space<semaphore_mem>>) src(%dma_wait3A_28 : memref<6160xf32, #tpu.memory_space<hbm>>) dst(%dma_wait3A_26 : memref<6160xf32, #tpu.memory_space<vmem_shared>>)
        tpu.yield
      }) : () -> ()
      "tpu.region"() ({
        %run_scoped3A = tpu.sem_alloc : memref<!tpu.dma_semaphore, #tpu.memory_space<semaphore_mem>>
        %dma_start3A = arith.constant 93840 : i32
        %dma_start3A_23 = tpu.memref_slice %arg15[%dma_start3A] : memref<100000xf32, #tpu.memory_space<vmem_shared>> -> memref<6160xf32, #tpu.memory_space<vmem_shared>>
        %dma_start3A_24 = arith.constant 93840 : i32
        %dma_start3A_25 = tpu.memref_slice %arg7[%dma_start3A_24] : memref<100000xf32, #tpu.memory_space<hbm>> -> memref<6160xf32, #tpu.memory_space<hbm>>
        tpu.enqueue_dma source(%dma_start3A_25 : memref<6160xf32, #tpu.memory_space<hbm>>) target(%dma_start3A_23 : memref<6160xf32, #tpu.memory_space<vmem_shared>>) target_semaphore(%run_scoped3A : memref<!tpu.dma_semaphore, #tpu.memory_space<semaphore_mem>>)
        %dma_wait3A = arith.constant 93840 : i32
        %dma_wait3A_26 = tpu.memref_slice %arg15[%dma_wait3A] : memref<100000xf32, #tpu.memory_space<vmem_shared>> -> memref<6160xf32, #tpu.memory_space<vmem_shared>>
        %dma_wait3A_27 = arith.constant 93840 : i32
        %dma_wait3A_28 = tpu.memref_slice %arg7[%dma_wait3A_27] : memref<100000xf32, #tpu.memory_space<hbm>> -> memref<6160xf32, #tpu.memory_space<hbm>>
        tpu.wait_dma2 semaphore(%run_scoped3A : memref<!tpu.dma_semaphore, #tpu.memory_space<semaphore_mem>>) src(%dma_wait3A_28 : memref<6160xf32, #tpu.memory_space<hbm>>) dst(%dma_wait3A_26 : memref<6160xf32, #tpu.memory_space<vmem_shared>>)
        tpu.yield
      }) : () -> ()
      "tpu.region"() ({
        %run_scoped3A = tpu.sem_alloc : memref<!tpu.dma_semaphore, #tpu.memory_space<semaphore_mem>>
        %dma_start3A = arith.constant 93840 : i32
        %dma_start3A_23 = tpu.memref_slice %arg16[%dma_start3A] : memref<100000xf32, #tpu.memory_space<vmem_shared>> -> memref<6160xf32, #tpu.memory_space<vmem_shared>>
        %dma_start3A_24 = arith.constant 93840 : i32
        %dma_start3A_25 = tpu.memref_slice %arg7[%dma_start3A_24] : memref<100000xf32, #tpu.memory_space<hbm>> -> memref<6160xf32, #tpu.memory_space<hbm>>
        tpu.enqueue_dma source(%dma_start3A_25 : memref<6160xf32, #tpu.memory_space<hbm>>) target(%dma_start3A_23 : memref<6160xf32, #tpu.memory_space<vmem_shared>>) target_semaphore(%run_scoped3A : memref<!tpu.dma_semaphore, #tpu.memory_space<semaphore_mem>>)
        %dma_wait3A = arith.constant 93840 : i32
        %dma_wait3A_26 = tpu.memref_slice %arg16[%dma_wait3A] : memref<100000xf32, #tpu.memory_space<vmem_shared>> -> memref<6160xf32, #tpu.memory_space<vmem_shared>>
        %dma_wait3A_27 = arith.constant 93840 : i32
        %dma_wait3A_28 = tpu.memref_slice %arg7[%dma_wait3A_27] : memref<100000xf32, #tpu.memory_space<hbm>> -> memref<6160xf32, #tpu.memory_space<hbm>>
        tpu.wait_dma2 semaphore(%run_scoped3A : memref<!tpu.dma_semaphore, #tpu.memory_space<semaphore_mem>>) src(%dma_wait3A_28 : memref<6160xf32, #tpu.memory_space<hbm>>) dst(%dma_wait3A_26 : memref<6160xf32, #tpu.memory_space<vmem_shared>>)
        tpu.yield
      }) : () -> ()
      "tpu.region"() ({
        %run_scoped3A = tpu.sem_alloc : memref<!tpu.dma_semaphore, #tpu.memory_space<semaphore_mem>>
        %dma_start3A = arith.constant 93840 : i32
        %dma_start3A_23 = tpu.memref_slice %arg17[%dma_start3A] : memref<100000xf32, #tpu.memory_space<vmem_shared>> -> memref<6160xf32, #tpu.memory_space<vmem_shared>>
        %dma_start3A_24 = arith.constant 93840 : i32
        %dma_start3A_25 = tpu.memref_slice %arg7[%dma_start3A_24] : memref<100000xf32, #tpu.memory_space<hbm>> -> memref<6160xf32, #tpu.memory_space<hbm>>
        tpu.enqueue_dma source(%dma_start3A_25 : memref<6160xf32, #tpu.memory_space<hbm>>) target(%dma_start3A_23 : memref<6160xf32, #tpu.memory_space<vmem_shared>>) target_semaphore(%run_scoped3A : memref<!tpu.dma_semaphore, #tpu.memory_space<semaphore_mem>>)
        %dma_wait3A = arith.constant 93840 : i32
        %dma_wait3A_26 = tpu.memref_slice %arg17[%dma_wait3A] : memref<100000xf32, #tpu.memory_space<vmem_shared>> -> memref<6160xf32, #tpu.memory_space<vmem_shared>>
        %dma_wait3A_27 = arith.constant 93840 : i32
        %dma_wait3A_28 = tpu.memref_slice %arg7[%dma_wait3A_27] : memref<100000xf32, #tpu.memory_space<hbm>> -> memref<6160xf32, #tpu.memory_space<hbm>>
        tpu.wait_dma2 semaphore(%run_scoped3A : memref<!tpu.dma_semaphore, #tpu.memory_space<semaphore_mem>>) src(%dma_wait3A_28 : memref<6160xf32, #tpu.memory_space<hbm>>) dst(%dma_wait3A_26 : memref<6160xf32, #tpu.memory_space<vmem_shared>>)
        tpu.yield
      }) : () -> ()
      "tpu.region"() ({
        %run_scoped3A = tpu.sem_alloc : memref<!tpu.dma_semaphore, #tpu.memory_space<semaphore_mem>>
        %dma_start3A = arith.constant 93840 : i32
        %dma_start3A_23 = tpu.memref_slice %arg18[%dma_start3A] : memref<100000xf32, #tpu.memory_space<vmem_shared>> -> memref<6160xf32, #tpu.memory_space<vmem_shared>>
        %dma_start3A_24 = arith.constant 93840 : i32
        %dma_start3A_25 = tpu.memref_slice %arg7[%dma_start3A_24] : memref<100000xf32, #tpu.memory_space<hbm>> -> memref<6160xf32, #tpu.memory_space<hbm>>
        tpu.enqueue_dma source(%dma_start3A_25 : memref<6160xf32, #tpu.memory_space<hbm>>) target(%dma_start3A_23 : memref<6160xf32, #tpu.memory_space<vmem_shared>>) target_semaphore(%run_scoped3A : memref<!tpu.dma_semaphore, #tpu.memory_space<semaphore_mem>>)
        %dma_wait3A = arith.constant 93840 : i32
        %dma_wait3A_26 = tpu.memref_slice %arg18[%dma_wait3A] : memref<100000xf32, #tpu.memory_space<vmem_shared>> -> memref<6160xf32, #tpu.memory_space<vmem_shared>>
        %dma_wait3A_27 = arith.constant 93840 : i32
        %dma_wait3A_28 = tpu.memref_slice %arg7[%dma_wait3A_27] : memref<100000xf32, #tpu.memory_space<hbm>> -> memref<6160xf32, #tpu.memory_space<hbm>>
        tpu.wait_dma2 semaphore(%run_scoped3A : memref<!tpu.dma_semaphore, #tpu.memory_space<semaphore_mem>>) src(%dma_wait3A_28 : memref<6160xf32, #tpu.memory_space<hbm>>) dst(%dma_wait3A_26 : memref<6160xf32, #tpu.memory_space<vmem_shared>>)
        tpu.yield
      }) : () -> ()
    } else {
    }
    %barrier3A = arith.constant 0 : index
    tpu.barrier barrier_id(%barrier3A)
    %scan3A = arith.constant 0 : i32
    %scan3A_7 = arith.constant 0 : i32
    %scan3A_8 = arith.constant 98 : i32
    %scan3A_9 = arith.addi %scan3A_7, %scan3A_8 : i32
    %scan3A_10 = arith.constant 1 : i32
    scf.for %scan3A_23 = %scan3A_7 to %scan3A_9 step %scan3A_10  : i32 {
      %mul3A_24 = arith.constant 32 : i32
      %mul3A_25 = arith.muli %scan3A_23, %mul3A_24 : i32
      %add3A_26 = arith.addi %mul3A_25, %add3A : i32
      %lt3A_27 = arith.constant 3125 : i32
      %lt3A_28 = arith.cmpi slt, %add3A_26, %lt3A_27 : i32
      %convert_element_type3A_29 = arith.extui %lt3A_28 : i1 to i32
      %cond3A_30 = arith.constant 0 : i32
      %cond3A_31 = arith.cmpi ne, %convert_element_type3A_29, %cond3A_30 : i32
      scf.if %cond3A_31 {
        %mul3A_32 = arith.constant 2048 : i32
        %mul3A_33 = arith.muli %add3A_26, %mul3A_32 : i32
        "tpu.region"() ({
          %run_scoped3A_106 = tpu.sem_alloc : memref<!tpu.dma_semaphore, #tpu.memory_space<semaphore_mem>>
          %dma_start3A_107 = tpu.memref_slice %arg2[%mul3A_33] : memref<6400000xi32, #tpu.memory_space<hbm>> -> memref<2048xi32, #tpu.memory_space<hbm>>
          %dma_start3A_108 = tpu.memref_slice %arg2[%mul3A_33] : memref<6400000xi32, #tpu.memory_space<hbm>> -> memref<2048xi32, #tpu.memory_space<hbm>>
          tpu.enqueue_dma source(%dma_start3A_108 : memref<2048xi32, #tpu.memory_space<hbm>>) target(%arg10 : memref<2048xi32, #tpu.memory_space<vmem>>) target_semaphore(%run_scoped3A_106 : memref<!tpu.dma_semaphore, #tpu.memory_space<semaphore_mem>>)
          %dma_wait3A_109 = tpu.memref_slice %arg2[%mul3A_33] : memref<6400000xi32, #tpu.memory_space<hbm>> -> memref<2048xi32, #tpu.memory_space<hbm>>
          %dma_wait3A_110 = tpu.memref_slice %arg2[%mul3A_33] : memref<6400000xi32, #tpu.memory_space<hbm>> -> memref<2048xi32, #tpu.memory_space<hbm>>
          tpu.wait_dma2 semaphore(%run_scoped3A_106 : memref<!tpu.dma_semaphore, #tpu.memory_space<semaphore_mem>>) src(%dma_wait3A_110 : memref<2048xi32, #tpu.memory_space<hbm>>) dst(%arg10 : memref<2048xi32, #tpu.memory_space<vmem>>)
          tpu.yield
        }) : () -> ()
        "tpu.region"() ({
          %run_scoped3A_106 = tpu.sem_alloc : memref<!tpu.dma_semaphore, #tpu.memory_space<semaphore_mem>>
          %dma_start3A_107 = tpu.memref_slice %arg3[%mul3A_33] : memref<6400000xi32, #tpu.memory_space<hbm>> -> memref<2048xi32, #tpu.memory_space<hbm>>
          %dma_start3A_108 = tpu.memref_slice %arg3[%mul3A_33] : memref<6400000xi32, #tpu.memory_space<hbm>> -> memref<2048xi32, #tpu.memory_space<hbm>>
          tpu.enqueue_dma source(%dma_start3A_108 : memref<2048xi32, #tpu.memory_space<hbm>>) target(%arg11 : memref<2048xi32, #tpu.memory_space<vmem>>) target_semaphore(%run_scoped3A_106 : memref<!tpu.dma_semaphore, #tpu.memory_space<semaphore_mem>>)
          %dma_wait3A_109 = tpu.memref_slice %arg3[%mul3A_33] : memref<6400000xi32, #tpu.memory_space<hbm>> -> memref<2048xi32, #tpu.memory_space<hbm>>
          %dma_wait3A_110 = tpu.memref_slice %arg3[%mul3A_33] : memref<6400000xi32, #tpu.memory_space<hbm>> -> memref<2048xi32, #tpu.memory_space<hbm>>
          tpu.wait_dma2 semaphore(%run_scoped3A_106 : memref<!tpu.dma_semaphore, #tpu.memory_space<semaphore_mem>>) src(%dma_wait3A_110 : memref<2048xi32, #tpu.memory_space<hbm>>) dst(%arg11 : memref<2048xi32, #tpu.memory_space<vmem>>)
          tpu.yield
        }) : () -> ()
        %run_scoped3A = arith.constant 0 : i32
        "tpu.region"() ({
          %run_scoped3A_106 = tpu.sem_alloc : memref<!tpu.dma_semaphore, #tpu.memory_space<semaphore_mem>>
          %dma_start3A_107 = arith.constant 0 : i32
          %dma_start3A_108 = tpu.memref_slice %arg12[%run_scoped3A, %dma_start3A_107] : memref<3x2048xf32, #tpu.memory_space<vmem>> -> memref<1x2048xf32, #tpu.memory_space<vmem>>
          %dma_start3A_109 = tpu.memref_squeeze %dma_start3A_108 : memref<1x2048xf32, #tpu.memory_space<vmem>> -> memref<2048xf32, #tpu.memory_space<vmem>>
          %dma_start3A_110 = tpu.memref_slice %arg4[%mul3A_33] : memref<6400000xf32, #tpu.memory_space<hbm>> -> memref<2048xf32, #tpu.memory_space<hbm>>
          %dma_start3A_111 = arith.constant 0 : i32
          %dma_start3A_112 = tpu.memref_slice %arg12[%run_scoped3A, %dma_start3A_111] : memref<3x2048xf32, #tpu.memory_space<vmem>> -> memref<1x2048xf32, #tpu.memory_space<vmem>>
          %dma_start3A_113 = tpu.memref_squeeze %dma_start3A_112 : memref<1x2048xf32, #tpu.memory_space<vmem>> -> memref<2048xf32, #tpu.memory_space<vmem>>
          %dma_start3A_114 = tpu.memref_slice %arg4[%mul3A_33] : memref<6400000xf32, #tpu.memory_space<hbm>> -> memref<2048xf32, #tpu.memory_space<hbm>>
          tpu.enqueue_dma source(%dma_start3A_114 : memref<2048xf32, #tpu.memory_space<hbm>>) target(%dma_start3A_113 : memref<2048xf32, #tpu.memory_space<vmem>>) target_semaphore(%run_scoped3A_106 : memref<!tpu.dma_semaphore, #tpu.memory_space<semaphore_mem>>)
          %dma_wait3A_115 = arith.constant 0 : i32
          %dma_wait3A_116 = tpu.memref_slice %arg12[%run_scoped3A, %dma_wait3A_115] : memref<3x2048xf32, #tpu.memory_space<vmem>> -> memref<1x2048xf32, #tpu.memory_space<vmem>>
          %dma_wait3A_117 = tpu.memref_squeeze %dma_wait3A_116 : memref<1x2048xf32, #tpu.memory_space<vmem>> -> memref<2048xf32, #tpu.memory_space<vmem>>
          %dma_wait3A_118 = tpu.memref_slice %arg4[%mul3A_33] : memref<6400000xf32, #tpu.memory_space<hbm>> -> memref<2048xf32, #tpu.memory_space<hbm>>
          %dma_wait3A_119 = arith.constant 0 : i32
          %dma_wait3A_120 = tpu.memref_slice %arg12[%run_scoped3A, %dma_wait3A_119] : memref<3x2048xf32, #tpu.memory_space<vmem>> -> memref<1x2048xf32, #tpu.memory_space<vmem>>
          %dma_wait3A_121 = tpu.memref_squeeze %dma_wait3A_120 : memref<1x2048xf32, #tpu.memory_space<vmem>> -> memref<2048xf32, #tpu.memory_space<vmem>>
          %dma_wait3A_122 = tpu.memref_slice %arg4[%mul3A_33] : memref<6400000xf32, #tpu.memory_space<hbm>> -> memref<2048xf32, #tpu.memory_space<hbm>>
          tpu.wait_dma2 semaphore(%run_scoped3A_106 : memref<!tpu.dma_semaphore, #tpu.memory_space<semaphore_mem>>) src(%dma_wait3A_122 : memref<2048xf32, #tpu.memory_space<hbm>>) dst(%dma_wait3A_121 : memref<2048xf32, #tpu.memory_space<vmem>>)
          tpu.yield
        }) : () -> ()
        %run_scoped3A_34 = arith.constant 1 : i32
        "tpu.region"() ({
          %run_scoped3A_106 = tpu.sem_alloc : memref<!tpu.dma_semaphore, #tpu.memory_space<semaphore_mem>>
          %dma_start3A_107 = arith.constant 0 : i32
          %dma_start3A_108 = tpu.memref_slice %arg12[%run_scoped3A_34, %dma_start3A_107] : memref<3x2048xf32, #tpu.memory_space<vmem>> -> memref<1x2048xf32, #tpu.memory_space<vmem>>
          %dma_start3A_109 = tpu.memref_squeeze %dma_start3A_108 : memref<1x2048xf32, #tpu.memory_space<vmem>> -> memref<2048xf32, #tpu.memory_space<vmem>>
          %dma_start3A_110 = tpu.memref_slice %arg5[%mul3A_33] : memref<6400000xf32, #tpu.memory_space<hbm>> -> memref<2048xf32, #tpu.memory_space<hbm>>
          %dma_start3A_111 = arith.constant 0 : i32
          %dma_start3A_112 = tpu.memref_slice %arg12[%run_scoped3A_34, %dma_start3A_111] : memref<3x2048xf32, #tpu.memory_space<vmem>> -> memref<1x2048xf32, #tpu.memory_space<vmem>>
          %dma_start3A_113 = tpu.memref_squeeze %dma_start3A_112 : memref<1x2048xf32, #tpu.memory_space<vmem>> -> memref<2048xf32, #tpu.memory_space<vmem>>
          %dma_start3A_114 = tpu.memref_slice %arg5[%mul3A_33] : memref<6400000xf32, #tpu.memory_space<hbm>> -> memref<2048xf32, #tpu.memory_space<hbm>>
          tpu.enqueue_dma source(%dma_start3A_114 : memref<2048xf32, #tpu.memory_space<hbm>>) target(%dma_start3A_113 : memref<2048xf32, #tpu.memory_space<vmem>>) target_semaphore(%run_scoped3A_106 : memref<!tpu.dma_semaphore, #tpu.memory_space<semaphore_mem>>)
          %dma_wait3A_115 = arith.constant 0 : i32
          %dma_wait3A_116 = tpu.memref_slice %arg12[%run_scoped3A_34, %dma_wait3A_115] : memref<3x2048xf32, #tpu.memory_space<vmem>> -> memref<1x2048xf32, #tpu.memory_space<vmem>>
          %dma_wait3A_117 = tpu.memref_squeeze %dma_wait3A_116 : memref<1x2048xf32, #tpu.memory_space<vmem>> -> memref<2048xf32, #tpu.memory_space<vmem>>
          %dma_wait3A_118 = tpu.memref_slice %arg5[%mul3A_33] : memref<6400000xf32, #tpu.memory_space<hbm>> -> memref<2048xf32, #tpu.memory_space<hbm>>
          %dma_wait3A_119 = arith.constant 0 : i32
          %dma_wait3A_120 = tpu.memref_slice %arg12[%run_scoped3A_34, %dma_wait3A_119] : memref<3x2048xf32, #tpu.memory_space<vmem>> -> memref<1x2048xf32, #tpu.memory_space<vmem>>
          %dma_wait3A_121 = tpu.memref_squeeze %dma_wait3A_120 : memref<1x2048xf32, #tpu.memory_space<vmem>> -> memref<2048xf32, #tpu.memory_space<vmem>>
          %dma_wait3A_122 = tpu.memref_slice %arg5[%mul3A_33] : memref<6400000xf32, #tpu.memory_space<hbm>> -> memref<2048xf32, #tpu.memory_space<hbm>>
          tpu.wait_dma2 semaphore(%run_scoped3A_106 : memref<!tpu.dma_semaphore, #tpu.memory_space<semaphore_mem>>) src(%dma_wait3A_122 : memref<2048xf32, #tpu.memory_space<hbm>>) dst(%dma_wait3A_121 : memref<2048xf32, #tpu.memory_space<vmem>>)
          tpu.yield
        }) : () -> ()
        %run_scoped3A_35 = arith.constant 2 : i32
        "tpu.region"() ({
          %run_scoped3A_106 = tpu.sem_alloc : memref<!tpu.dma_semaphore, #tpu.memory_space<semaphore_mem>>
          %dma_start3A_107 = arith.constant 0 : i32
          %dma_start3A_108 = tpu.memref_slice %arg12[%run_scoped3A_35, %dma_start3A_107] : memref<3x2048xf32, #tpu.memory_space<vmem>> -> memref<1x2048xf32, #tpu.memory_space<vmem>>
          %dma_start3A_109 = tpu.memref_squeeze %dma_start3A_108 : memref<1x2048xf32, #tpu.memory_space<vmem>> -> memref<2048xf32, #tpu.memory_space<vmem>>
          %dma_start3A_110 = tpu.memref_slice %arg6[%mul3A_33] : memref<6400000xf32, #tpu.memory_space<hbm>> -> memref<2048xf32, #tpu.memory_space<hbm>>
          %dma_start3A_111 = arith.constant 0 : i32
          %dma_start3A_112 = tpu.memref_slice %arg12[%run_scoped3A_35, %dma_start3A_111] : memref<3x2048xf32, #tpu.memory_space<vmem>> -> memref<1x2048xf32, #tpu.memory_space<vmem>>
          %dma_start3A_113 = tpu.memref_squeeze %dma_start3A_112 : memref<1x2048xf32, #tpu.memory_space<vmem>> -> memref<2048xf32, #tpu.memory_space<vmem>>
          %dma_start3A_114 = tpu.memref_slice %arg6[%mul3A_33] : memref<6400000xf32, #tpu.memory_space<hbm>> -> memref<2048xf32, #tpu.memory_space<hbm>>
          tpu.enqueue_dma source(%dma_start3A_114 : memref<2048xf32, #tpu.memory_space<hbm>>) target(%dma_start3A_113 : memref<2048xf32, #tpu.memory_space<vmem>>) target_semaphore(%run_scoped3A_106 : memref<!tpu.dma_semaphore, #tpu.memory_space<semaphore_mem>>)
          %dma_wait3A_115 = arith.constant 0 : i32
          %dma_wait3A_116 = tpu.memref_slice %arg12[%run_scoped3A_35, %dma_wait3A_115] : memref<3x2048xf32, #tpu.memory_space<vmem>> -> memref<1x2048xf32, #tpu.memory_space<vmem>>
          %dma_wait3A_117 = tpu.memref_squeeze %dma_wait3A_116 : memref<1x2048xf32, #tpu.memory_space<vmem>> -> memref<2048xf32, #tpu.memory_space<vmem>>
          %dma_wait3A_118 = tpu.memref_slice %arg6[%mul3A_33] : memref<6400000xf32, #tpu.memory_space<hbm>> -> memref<2048xf32, #tpu.memory_space<hbm>>
          %dma_wait3A_119 = arith.constant 0 : i32
          %dma_wait3A_120 = tpu.memref_slice %arg12[%run_scoped3A_35, %dma_wait3A_119] : memref<3x2048xf32, #tpu.memory_space<vmem>> -> memref<1x2048xf32, #tpu.memory_space<vmem>>
          %dma_wait3A_121 = tpu.memref_squeeze %dma_wait3A_120 : memref<1x2048xf32, #tpu.memory_space<vmem>> -> memref<2048xf32, #tpu.memory_space<vmem>>
          %dma_wait3A_122 = tpu.memref_slice %arg6[%mul3A_33] : memref<6400000xf32, #tpu.memory_space<hbm>> -> memref<2048xf32, #tpu.memory_space<hbm>>
          tpu.wait_dma2 semaphore(%run_scoped3A_106 : memref<!tpu.dma_semaphore, #tpu.memory_space<semaphore_mem>>) src(%dma_wait3A_122 : memref<2048xf32, #tpu.memory_space<hbm>>) dst(%dma_wait3A_121 : memref<2048xf32, #tpu.memory_space<vmem>>)
          tpu.yield
        }) : () -> ()
        %dma_start3A = arith.constant 0 : i32
        %dma_start3A_36 = arith.constant 0 : i32
        %dma_start3A_37 = tpu.memref_slice %arg12[%dma_start3A, %dma_start3A_36] : memref<3x2048xf32, #tpu.memory_space<vmem>> -> memref<1x2048xf32, #tpu.memory_space<vmem>>
        %dma_start3A_38 = tpu.memref_squeeze %dma_start3A_37 : memref<1x2048xf32, #tpu.memory_space<vmem>> -> memref<2048xf32, #tpu.memory_space<vmem>>
        %dma_start3A_39 = arith.constant 0 : i32
        %dma_start3A_40 = tpu.memref_slice %arg13[%dma_start3A_39] : memref<100000xf32, #tpu.memory_space<vmem_shared>> -> memref<100000xf32, #tpu.memory_space<vmem_shared>>
        tpu.enqueue_indirect_dma source(%dma_start3A_38 : memref<2048xf32, #tpu.memory_space<vmem>>) target(%dma_start3A_40 : memref<100000xf32, #tpu.memory_space<vmem_shared>>) offsets(%arg10 : memref<2048xi32, #tpu.memory_space<vmem>>) semaphore(%arg19 : memref<!tpu.dma_semaphore, #tpu.memory_space<semaphore_mem>>) {add = true}
        %dma_start3A_41 = arith.constant 0 : i32
        %dma_start3A_42 = arith.constant 0 : i32
        %dma_start3A_43 = tpu.memref_slice %arg12[%dma_start3A_41, %dma_start3A_42] : memref<3x2048xf32, #tpu.memory_space<vmem>> -> memref<1x2048xf32, #tpu.memory_space<vmem>>
        %dma_start3A_44 = tpu.memref_squeeze %dma_start3A_43 : memref<1x2048xf32, #tpu.memory_space<vmem>> -> memref<2048xf32, #tpu.memory_space<vmem>>
        %dma_start3A_45 = arith.constant 0 : i32
        %dma_start3A_46 = tpu.memref_slice %arg16[%dma_start3A_45] : memref<100000xf32, #tpu.memory_space<vmem_shared>> -> memref<100000xf32, #tpu.memory_space<vmem_shared>>
        tpu.enqueue_indirect_dma source(%dma_start3A_44 : memref<2048xf32, #tpu.memory_space<vmem>>) target(%dma_start3A_46 : memref<100000xf32, #tpu.memory_space<vmem_shared>>) offsets(%arg11 : memref<2048xi32, #tpu.memory_space<vmem>>) semaphore(%arg19 : memref<!tpu.dma_semaphore, #tpu.memory_space<semaphore_mem>>) {add = true}
        %dma_start3A_47 = arith.constant 1 : i32
        %dma_start3A_48 = arith.constant 0 : i32
        %dma_start3A_49 = tpu.memref_slice %arg12[%dma_start3A_47, %dma_start3A_48] : memref<3x2048xf32, #tpu.memory_space<vmem>> -> memref<1x2048xf32, #tpu.memory_space<vmem>>
        %dma_start3A_50 = tpu.memref_squeeze %dma_start3A_49 : memref<1x2048xf32, #tpu.memory_space<vmem>> -> memref<2048xf32, #tpu.memory_space<vmem>>
        %dma_start3A_51 = arith.constant 0 : i32
        %dma_start3A_52 = tpu.memref_slice %arg14[%dma_start3A_51] : memref<100000xf32, #tpu.memory_space<vmem_shared>> -> memref<100000xf32, #tpu.memory_space<vmem_shared>>
        tpu.enqueue_indirect_dma source(%dma_start3A_50 : memref<2048xf32, #tpu.memory_space<vmem>>) target(%dma_start3A_52 : memref<100000xf32, #tpu.memory_space<vmem_shared>>) offsets(%arg10 : memref<2048xi32, #tpu.memory_space<vmem>>) semaphore(%arg19 : memref<!tpu.dma_semaphore, #tpu.memory_space<semaphore_mem>>) {add = true}
        %dma_start3A_53 = arith.constant 1 : i32
        %dma_start3A_54 = arith.constant 0 : i32
        %dma_start3A_55 = tpu.memref_slice %arg12[%dma_start3A_53, %dma_start3A_54] : memref<3x2048xf32, #tpu.memory_space<vmem>> -> memref<1x2048xf32, #tpu.memory_space<vmem>>
        %dma_start3A_56 = tpu.memref_squeeze %dma_start3A_55 : memref<1x2048xf32, #tpu.memory_space<vmem>> -> memref<2048xf32, #tpu.memory_space<vmem>>
        %dma_start3A_57 = arith.constant 0 : i32
        %dma_start3A_58 = tpu.memref_slice %arg17[%dma_start3A_57] : memref<100000xf32, #tpu.memory_space<vmem_shared>> -> memref<100000xf32, #tpu.memory_space<vmem_shared>>
        tpu.enqueue_indirect_dma source(%dma_start3A_56 : memref<2048xf32, #tpu.memory_space<vmem>>) target(%dma_start3A_58 : memref<100000xf32, #tpu.memory_space<vmem_shared>>) offsets(%arg11 : memref<2048xi32, #tpu.memory_space<vmem>>) semaphore(%arg19 : memref<!tpu.dma_semaphore, #tpu.memory_space<semaphore_mem>>) {add = true}
        %dma_start3A_59 = arith.constant 2 : i32
        %dma_start3A_60 = arith.constant 0 : i32
        %dma_start3A_61 = tpu.memref_slice %arg12[%dma_start3A_59, %dma_start3A_60] : memref<3x2048xf32, #tpu.memory_space<vmem>> -> memref<1x2048xf32, #tpu.memory_space<vmem>>
        %dma_start3A_62 = tpu.memref_squeeze %dma_start3A_61 : memref<1x2048xf32, #tpu.memory_space<vmem>> -> memref<2048xf32, #tpu.memory_space<vmem>>
        %dma_start3A_63 = arith.constant 0 : i32
        %dma_start3A_64 = tpu.memref_slice %arg15[%dma_start3A_63] : memref<100000xf32, #tpu.memory_space<vmem_shared>> -> memref<100000xf32, #tpu.memory_space<vmem_shared>>
        tpu.enqueue_indirect_dma source(%dma_start3A_62 : memref<2048xf32, #tpu.memory_space<vmem>>) target(%dma_start3A_64 : memref<100000xf32, #tpu.memory_space<vmem_shared>>) offsets(%arg10 : memref<2048xi32, #tpu.memory_space<vmem>>) semaphore(%arg19 : memref<!tpu.dma_semaphore, #tpu.memory_space<semaphore_mem>>) {add = true}
        %dma_start3A_65 = arith.constant 2 : i32
        %dma_start3A_66 = arith.constant 0 : i32
        %dma_start3A_67 = tpu.memref_slice %arg12[%dma_start3A_65, %dma_start3A_66] : memref<3x2048xf32, #tpu.memory_space<vmem>> -> memref<1x2048xf32, #tpu.memory_space<vmem>>
        %dma_start3A_68 = tpu.memref_squeeze %dma_start3A_67 : memref<1x2048xf32, #tpu.memory_space<vmem>> -> memref<2048xf32, #tpu.memory_space<vmem>>
        %dma_start3A_69 = arith.constant 0 : i32
        %dma_start3A_70 = tpu.memref_slice %arg18[%dma_start3A_69] : memref<100000xf32, #tpu.memory_space<vmem_shared>> -> memref<100000xf32, #tpu.memory_space<vmem_shared>>
        tpu.enqueue_indirect_dma source(%dma_start3A_68 : memref<2048xf32, #tpu.memory_space<vmem>>) target(%dma_start3A_70 : memref<100000xf32, #tpu.memory_space<vmem_shared>>) offsets(%arg11 : memref<2048xi32, #tpu.memory_space<vmem>>) semaphore(%arg19 : memref<!tpu.dma_semaphore, #tpu.memory_space<semaphore_mem>>) {add = true}
        %dma_wait3A = arith.constant 0 : i32
        %dma_wait3A_71 = arith.constant 0 : i32
        %dma_wait3A_72 = tpu.memref_slice %arg12[%dma_wait3A, %dma_wait3A_71] : memref<3x2048xf32, #tpu.memory_space<vmem>> -> memref<1x2048xf32, #tpu.memory_space<vmem>>
        %dma_wait3A_73 = tpu.memref_squeeze %dma_wait3A_72 : memref<1x2048xf32, #tpu.memory_space<vmem>> -> memref<2048xf32, #tpu.memory_space<vmem>>
        %dma_wait3A_74 = arith.constant 0 : i32
        %dma_wait3A_75 = tpu.memref_slice %arg13[%dma_wait3A_74] : memref<100000xf32, #tpu.memory_space<vmem_shared>> -> memref<100000xf32, #tpu.memory_space<vmem_shared>>
        tpu.wait_indirect_dma semaphore(%arg19 : memref<!tpu.dma_semaphore, #tpu.memory_space<semaphore_mem>>) src(%dma_wait3A_73 : memref<2048xf32, #tpu.memory_space<vmem>>) dst(%dma_wait3A_75 : memref<100000xf32, #tpu.memory_space<vmem_shared>>)
        %dma_wait3A_76 = arith.constant 0 : i32
        %dma_wait3A_77 = arith.constant 0 : i32
        %dma_wait3A_78 = tpu.memref_slice %arg12[%dma_wait3A_76, %dma_wait3A_77] : memref<3x2048xf32, #tpu.memory_space<vmem>> -> memref<1x2048xf32, #tpu.memory_space<vmem>>
        %dma_wait3A_79 = tpu.memref_squeeze %dma_wait3A_78 : memref<1x2048xf32, #tpu.memory_space<vmem>> -> memref<2048xf32, #tpu.memory_space<vmem>>
        %dma_wait3A_80 = arith.constant 0 : i32
        %dma_wait3A_81 = tpu.memref_slice %arg16[%dma_wait3A_80] : memref<100000xf32, #tpu.memory_space<vmem_shared>> -> memref<100000xf32, #tpu.memory_space<vmem_shared>>
        tpu.wait_indirect_dma semaphore(%arg19 : memref<!tpu.dma_semaphore, #tpu.memory_space<semaphore_mem>>) src(%dma_wait3A_79 : memref<2048xf32, #tpu.memory_space<vmem>>) dst(%dma_wait3A_81 : memref<100000xf32, #tpu.memory_space<vmem_shared>>)
        %dma_wait3A_82 = arith.constant 1 : i32
        %dma_wait3A_83 = arith.constant 0 : i32
        %dma_wait3A_84 = tpu.memref_slice %arg12[%dma_wait3A_82, %dma_wait3A_83] : memref<3x2048xf32, #tpu.memory_space<vmem>> -> memref<1x2048xf32, #tpu.memory_space<vmem>>
        %dma_wait3A_85 = tpu.memref_squeeze %dma_wait3A_84 : memref<1x2048xf32, #tpu.memory_space<vmem>> -> memref<2048xf32, #tpu.memory_space<vmem>>
        %dma_wait3A_86 = arith.constant 0 : i32
        %dma_wait3A_87 = tpu.memref_slice %arg14[%dma_wait3A_86] : memref<100000xf32, #tpu.memory_space<vmem_shared>> -> memref<100000xf32, #tpu.memory_space<vmem_shared>>
        tpu.wait_indirect_dma semaphore(%arg19 : memref<!tpu.dma_semaphore, #tpu.memory_space<semaphore_mem>>) src(%dma_wait3A_85 : memref<2048xf32, #tpu.memory_space<vmem>>) dst(%dma_wait3A_87 : memref<100000xf32, #tpu.memory_space<vmem_shared>>)
        %dma_wait3A_88 = arith.constant 1 : i32
        %dma_wait3A_89 = arith.constant 0 : i32
        %dma_wait3A_90 = tpu.memref_slice %arg12[%dma_wait3A_88, %dma_wait3A_89] : memref<3x2048xf32, #tpu.memory_space<vmem>> -> memref<1x2048xf32, #tpu.memory_space<vmem>>
        %dma_wait3A_91 = tpu.memref_squeeze %dma_wait3A_90 : memref<1x2048xf32, #tpu.memory_space<vmem>> -> memref<2048xf32, #tpu.memory_space<vmem>>
        %dma_wait3A_92 = arith.constant 0 : i32
        %dma_wait3A_93 = tpu.memref_slice %arg17[%dma_wait3A_92] : memref<100000xf32, #tpu.memory_space<vmem_shared>> -> memref<100000xf32, #tpu.memory_space<vmem_shared>>
        tpu.wait_indirect_dma semaphore(%arg19 : memref<!tpu.dma_semaphore, #tpu.memory_space<semaphore_mem>>) src(%dma_wait3A_91 : memref<2048xf32, #tpu.memory_space<vmem>>) dst(%dma_wait3A_93 : memref<100000xf32, #tpu.memory_space<vmem_shared>>)
        %dma_wait3A_94 = arith.constant 2 : i32
        %dma_wait3A_95 = arith.constant 0 : i32
        %dma_wait3A_96 = tpu.memref_slice %arg12[%dma_wait3A_94, %dma_wait3A_95] : memref<3x2048xf32, #tpu.memory_space<vmem>> -> memref<1x2048xf32, #tpu.memory_space<vmem>>
        %dma_wait3A_97 = tpu.memref_squeeze %dma_wait3A_96 : memref<1x2048xf32, #tpu.memory_space<vmem>> -> memref<2048xf32, #tpu.memory_space<vmem>>
        %dma_wait3A_98 = arith.constant 0 : i32
        %dma_wait3A_99 = tpu.memref_slice %arg15[%dma_wait3A_98] : memref<100000xf32, #tpu.memory_space<vmem_shared>> -> memref<100000xf32, #tpu.memory_space<vmem_shared>>
        tpu.wait_indirect_dma semaphore(%arg19 : memref<!tpu.dma_semaphore, #tpu.memory_space<semaphore_mem>>) src(%dma_wait3A_97 : memref<2048xf32, #tpu.memory_space<vmem>>) dst(%dma_wait3A_99 : memref<100000xf32, #tpu.memory_space<vmem_shared>>)
        %dma_wait3A_100 = arith.constant 2 : i32
        %dma_wait3A_101 = arith.constant 0 : i32
        %dma_wait3A_102 = tpu.memref_slice %arg12[%dma_wait3A_100, %dma_wait3A_101] : memref<3x2048xf32, #tpu.memory_space<vmem>> -> memref<1x2048xf32, #tpu.memory_space<vmem>>
        %dma_wait3A_103 = tpu.memref_squeeze %dma_wait3A_102 : memref<1x2048xf32, #tpu.memory_space<vmem>> -> memref<2048xf32, #tpu.memory_space<vmem>>
        %dma_wait3A_104 = arith.constant 0 : i32
        %dma_wait3A_105 = tpu.memref_slice %arg18[%dma_wait3A_104] : memref<100000xf32, #tpu.memory_space<vmem_shared>> -> memref<100000xf32, #tpu.memory_space<vmem_shared>>
        tpu.wait_indirect_dma semaphore(%arg19 : memref<!tpu.dma_semaphore, #tpu.memory_space<semaphore_mem>>) src(%dma_wait3A_103 : memref<2048xf32, #tpu.memory_space<vmem>>) dst(%dma_wait3A_105 : memref<100000xf32, #tpu.memory_space<vmem_shared>>)
      } else {
      }
    }
    %scan3A_11 = arith.constant 98 : i32
    %barrier3A_12 = arith.constant 0 : index
    tpu.barrier barrier_id(%barrier3A_12)
    %lt3A_13 = arith.constant 15 : i32
    %lt3A_14 = arith.cmpi slt, %arg1, %lt3A_13 : i32
    %convert_element_type3A_15 = arith.extui %lt3A_14 : i1 to i32
    %cond3A_16 = arith.constant 0 : i32
    %cond3A_17 = arith.cmpi ne, %convert_element_type3A_15, %cond3A_16 : i32
    scf.if %cond3A_17 {
      %mul3A_23 = arith.constant 6256 : i32
      %mul3A_24 = arith.muli %arg1, %mul3A_23 : i32
      %run_scoped3A = arith.constant 0 : i32
      "tpu.region"() ({
        %run_scoped3A_30 = tpu.sem_alloc : memref<!tpu.dma_semaphore, #tpu.memory_space<semaphore_mem>>
        %dma_start3A = tpu.memref_slice %arg8[%arg0, %run_scoped3A, %mul3A_24] : memref<2x3x100000xf32, #tpu.memory_space<hbm>> -> memref<1x1x6256xf32, #tpu.memory_space<hbm>>
        %dma_start3A_31 = tpu.memref_squeeze %dma_start3A : memref<1x1x6256xf32, #tpu.memory_space<hbm>> -> memref<6256xf32, #tpu.memory_space<hbm>>
        %dma_start3A_32 = tpu.memref_slice %arg13[%mul3A_24] : memref<100000xf32, #tpu.memory_space<vmem_shared>> -> memref<6256xf32, #tpu.memory_space<vmem_shared>>
        tpu.enqueue_dma source(%dma_start3A_32 : memref<6256xf32, #tpu.memory_space<vmem_shared>>) target(%dma_start3A_31 : memref<6256xf32, #tpu.memory_space<hbm>>) target_semaphore(%run_scoped3A_30 : memref<!tpu.dma_semaphore, #tpu.memory_space<semaphore_mem>>)
        %dma_wait3A = tpu.memref_slice %arg8[%arg0, %run_scoped3A, %mul3A_24] : memref<2x3x100000xf32, #tpu.memory_space<hbm>> -> memref<1x1x6256xf32, #tpu.memory_space<hbm>>
        %dma_wait3A_33 = tpu.memref_squeeze %dma_wait3A : memref<1x1x6256xf32, #tpu.memory_space<hbm>> -> memref<6256xf32, #tpu.memory_space<hbm>>
        %dma_wait3A_34 = tpu.memref_slice %arg13[%mul3A_24] : memref<100000xf32, #tpu.memory_space<vmem_shared>> -> memref<6256xf32, #tpu.memory_space<vmem_shared>>
        tpu.wait_dma2 semaphore(%run_scoped3A_30 : memref<!tpu.dma_semaphore, #tpu.memory_space<semaphore_mem>>) src(%dma_wait3A_34 : memref<6256xf32, #tpu.memory_space<vmem_shared>>) dst(%dma_wait3A_33 : memref<6256xf32, #tpu.memory_space<hbm>>)
        tpu.yield
      }) : () -> ()
      %run_scoped3A_25 = arith.constant 0 : i32
      "tpu.region"() ({
        %run_scoped3A_30 = tpu.sem_alloc : memref<!tpu.dma_semaphore, #tpu.memory_space<semaphore_mem>>
        %dma_start3A = tpu.memref_slice %arg9[%arg0, %run_scoped3A_25, %mul3A_24] : memref<2x3x100000xf32, #tpu.memory_space<hbm>> -> memref<1x1x6256xf32, #tpu.memory_space<hbm>>
        %dma_start3A_31 = tpu.memref_squeeze %dma_start3A : memref<1x1x6256xf32, #tpu.memory_space<hbm>> -> memref<6256xf32, #tpu.memory_space<hbm>>
        %dma_start3A_32 = tpu.memref_slice %arg16[%mul3A_24] : memref<100000xf32, #tpu.memory_space<vmem_shared>> -> memref<6256xf32, #tpu.memory_space<vmem_shared>>
        tpu.enqueue_dma source(%dma_start3A_32 : memref<6256xf32, #tpu.memory_space<vmem_shared>>) target(%dma_start3A_31 : memref<6256xf32, #tpu.memory_space<hbm>>) target_semaphore(%run_scoped3A_30 : memref<!tpu.dma_semaphore, #tpu.memory_space<semaphore_mem>>)
        %dma_wait3A = tpu.memref_slice %arg9[%arg0, %run_scoped3A_25, %mul3A_24] : memref<2x3x100000xf32, #tpu.memory_space<hbm>> -> memref<1x1x6256xf32, #tpu.memory_space<hbm>>
        %dma_wait3A_33 = tpu.memref_squeeze %dma_wait3A : memref<1x1x6256xf32, #tpu.memory_space<hbm>> -> memref<6256xf32, #tpu.memory_space<hbm>>
        %dma_wait3A_34 = tpu.memref_slice %arg16[%mul3A_24] : memref<100000xf32, #tpu.memory_space<vmem_shared>> -> memref<6256xf32, #tpu.memory_space<vmem_shared>>
        tpu.wait_dma2 semaphore(%run_scoped3A_30 : memref<!tpu.dma_semaphore, #tpu.memory_space<semaphore_mem>>) src(%dma_wait3A_34 : memref<6256xf32, #tpu.memory_space<vmem_shared>>) dst(%dma_wait3A_33 : memref<6256xf32, #tpu.memory_space<hbm>>)
        tpu.yield
      }) : () -> ()
      %run_scoped3A_26 = arith.constant 1 : i32
      "tpu.region"() ({
        %run_scoped3A_30 = tpu.sem_alloc : memref<!tpu.dma_semaphore, #tpu.memory_space<semaphore_mem>>
        %dma_start3A = tpu.memref_slice %arg8[%arg0, %run_scoped3A_26, %mul3A_24] : memref<2x3x100000xf32, #tpu.memory_space<hbm>> -> memref<1x1x6256xf32, #tpu.memory_space<hbm>>
        %dma_start3A_31 = tpu.memref_squeeze %dma_start3A : memref<1x1x6256xf32, #tpu.memory_space<hbm>> -> memref<6256xf32, #tpu.memory_space<hbm>>
        %dma_start3A_32 = tpu.memref_slice %arg14[%mul3A_24] : memref<100000xf32, #tpu.memory_space<vmem_shared>> -> memref<6256xf32, #tpu.memory_space<vmem_shared>>
        tpu.enqueue_dma source(%dma_start3A_32 : memref<6256xf32, #tpu.memory_space<vmem_shared>>) target(%dma_start3A_31 : memref<6256xf32, #tpu.memory_space<hbm>>) target_semaphore(%run_scoped3A_30 : memref<!tpu.dma_semaphore, #tpu.memory_space<semaphore_mem>>)
        %dma_wait3A = tpu.memref_slice %arg8[%arg0, %run_scoped3A_26, %mul3A_24] : memref<2x3x100000xf32, #tpu.memory_space<hbm>> -> memref<1x1x6256xf32, #tpu.memory_space<hbm>>
        %dma_wait3A_33 = tpu.memref_squeeze %dma_wait3A : memref<1x1x6256xf32, #tpu.memory_space<hbm>> -> memref<6256xf32, #tpu.memory_space<hbm>>
        %dma_wait3A_34 = tpu.memref_slice %arg14[%mul3A_24] : memref<100000xf32, #tpu.memory_space<vmem_shared>> -> memref<6256xf32, #tpu.memory_space<vmem_shared>>
        tpu.wait_dma2 semaphore(%run_scoped3A_30 : memref<!tpu.dma_semaphore, #tpu.memory_space<semaphore_mem>>) src(%dma_wait3A_34 : memref<6256xf32, #tpu.memory_space<vmem_shared>>) dst(%dma_wait3A_33 : memref<6256xf32, #tpu.memory_space<hbm>>)
        tpu.yield
      }) : () -> ()
      %run_scoped3A_27 = arith.constant 1 : i32
      "tpu.region"() ({
        %run_scoped3A_30 = tpu.sem_alloc : memref<!tpu.dma_semaphore, #tpu.memory_space<semaphore_mem>>
        %dma_start3A = tpu.memref_slice %arg9[%arg0, %run_scoped3A_27, %mul3A_24] : memref<2x3x100000xf32, #tpu.memory_space<hbm>> -> memref<1x1x6256xf32, #tpu.memory_space<hbm>>
        %dma_start3A_31 = tpu.memref_squeeze %dma_start3A : memref<1x1x6256xf32, #tpu.memory_space<hbm>> -> memref<6256xf32, #tpu.memory_space<hbm>>
        %dma_start3A_32 = tpu.memref_slice %arg17[%mul3A_24] : memref<100000xf32, #tpu.memory_space<vmem_shared>> -> memref<6256xf32, #tpu.memory_space<vmem_shared>>
        tpu.enqueue_dma source(%dma_start3A_32 : memref<6256xf32, #tpu.memory_space<vmem_shared>>) target(%dma_start3A_31 : memref<6256xf32, #tpu.memory_space<hbm>>) target_semaphore(%run_scoped3A_30 : memref<!tpu.dma_semaphore, #tpu.memory_space<semaphore_mem>>)
        %dma_wait3A = tpu.memref_slice %arg9[%arg0, %run_scoped3A_27, %mul3A_24] : memref<2x3x100000xf32, #tpu.memory_space<hbm>> -> memref<1x1x6256xf32, #tpu.memory_space<hbm>>
        %dma_wait3A_33 = tpu.memref_squeeze %dma_wait3A : memref<1x1x6256xf32, #tpu.memory_space<hbm>> -> memref<6256xf32, #tpu.memory_space<hbm>>
        %dma_wait3A_34 = tpu.memref_slice %arg17[%mul3A_24] : memref<100000xf32, #tpu.memory_space<vmem_shared>> -> memref<6256xf32, #tpu.memory_space<vmem_shared>>
        tpu.wait_dma2 semaphore(%run_scoped3A_30 : memref<!tpu.dma_semaphore, #tpu.memory_space<semaphore_mem>>) src(%dma_wait3A_34 : memref<6256xf32, #tpu.memory_space<vmem_shared>>) dst(%dma_wait3A_33 : memref<6256xf32, #tpu.memory_space<hbm>>)
        tpu.yield
      }) : () -> ()
      %run_scoped3A_28 = arith.constant 2 : i32
      "tpu.region"() ({
        %run_scoped3A_30 = tpu.sem_alloc : memref<!tpu.dma_semaphore, #tpu.memory_space<semaphore_mem>>
        %dma_start3A = tpu.memref_slice %arg8[%arg0, %run_scoped3A_28, %mul3A_24] : memref<2x3x100000xf32, #tpu.memory_space<hbm>> -> memref<1x1x6256xf32, #tpu.memory_space<hbm>>
        %dma_start3A_31 = tpu.memref_squeeze %dma_start3A : memref<1x1x6256xf32, #tpu.memory_space<hbm>> -> memref<6256xf32, #tpu.memory_space<hbm>>
        %dma_start3A_32 = tpu.memref_slice %arg15[%mul3A_24] : memref<100000xf32, #tpu.memory_space<vmem_shared>> -> memref<6256xf32, #tpu.memory_space<vmem_shared>>
        tpu.enqueue_dma source(%dma_start3A_32 : memref<6256xf32, #tpu.memory_space<vmem_shared>>) target(%dma_start3A_31 : memref<6256xf32, #tpu.memory_space<hbm>>) target_semaphore(%run_scoped3A_30 : memref<!tpu.dma_semaphore, #tpu.memory_space<semaphore_mem>>)
        %dma_wait3A = tpu.memref_slice %arg8[%arg0, %run_scoped3A_28, %mul3A_24] : memref<2x3x100000xf32, #tpu.memory_space<hbm>> -> memref<1x1x6256xf32, #tpu.memory_space<hbm>>
        %dma_wait3A_33 = tpu.memref_squeeze %dma_wait3A : memref<1x1x6256xf32, #tpu.memory_space<hbm>> -> memref<6256xf32, #tpu.memory_space<hbm>>
        %dma_wait3A_34 = tpu.memref_slice %arg15[%mul3A_24] : memref<100000xf32, #tpu.memory_space<vmem_shared>> -> memref<6256xf32, #tpu.memory_space<vmem_shared>>
        tpu.wait_dma2 semaphore(%run_scoped3A_30 : memref<!tpu.dma_semaphore, #tpu.memory_space<semaphore_mem>>) src(%dma_wait3A_34 : memref<6256xf32, #tpu.memory_space<vmem_shared>>) dst(%dma_wait3A_33 : memref<6256xf32, #tpu.memory_space<hbm>>)
        tpu.yield
      }) : () -> ()
      %run_scoped3A_29 = arith.constant 2 : i32
      "tpu.region"() ({
        %run_scoped3A_30 = tpu.sem_alloc : memref<!tpu.dma_semaphore, #tpu.memory_space<semaphore_mem>>
        %dma_start3A = tpu.memref_slice %arg9[%arg0, %run_scoped3A_29, %mul3A_24] : memref<2x3x100000xf32, #tpu.memory_space<hbm>> -> memref<1x1x6256xf32, #tpu.memory_space<hbm>>
        %dma_start3A_31 = tpu.memref_squeeze %dma_start3A : memref<1x1x6256xf32, #tpu.memory_space<hbm>> -> memref<6256xf32, #tpu.memory_space<hbm>>
        %dma_start3A_32 = tpu.memref_slice %arg18[%mul3A_24] : memref<100000xf32, #tpu.memory_space<vmem_shared>> -> memref<6256xf32, #tpu.memory_space<vmem_shared>>
        tpu.enqueue_dma source(%dma_start3A_32 : memref<6256xf32, #tpu.memory_space<vmem_shared>>) target(%dma_start3A_31 : memref<6256xf32, #tpu.memory_space<hbm>>) target_semaphore(%run_scoped3A_30 : memref<!tpu.dma_semaphore, #tpu.memory_space<semaphore_mem>>)
        %dma_wait3A = tpu.memref_slice %arg9[%arg0, %run_scoped3A_29, %mul3A_24] : memref<2x3x100000xf32, #tpu.memory_space<hbm>> -> memref<1x1x6256xf32, #tpu.memory_space<hbm>>
        %dma_wait3A_33 = tpu.memref_squeeze %dma_wait3A : memref<1x1x6256xf32, #tpu.memory_space<hbm>> -> memref<6256xf32, #tpu.memory_space<hbm>>
        %dma_wait3A_34 = tpu.memref_slice %arg18[%mul3A_24] : memref<100000xf32, #tpu.memory_space<vmem_shared>> -> memref<6256xf32, #tpu.memory_space<vmem_shared>>
        tpu.wait_dma2 semaphore(%run_scoped3A_30 : memref<!tpu.dma_semaphore, #tpu.memory_space<semaphore_mem>>) src(%dma_wait3A_34 : memref<6256xf32, #tpu.memory_space<vmem_shared>>) dst(%dma_wait3A_33 : memref<6256xf32, #tpu.memory_space<hbm>>)
        tpu.yield
      }) : () -> ()
    } else {
    }
    %eq3A_18 = arith.constant 15 : i32
    %eq3A_19 = arith.cmpi eq, %arg1, %eq3A_18 : i32
    %convert_element_type3A_20 = arith.extui %eq3A_19 : i1 to i32
    %cond3A_21 = arith.constant 0 : i32
    %cond3A_22 = arith.cmpi ne, %convert_element_type3A_20, %cond3A_21 : i32
    scf.if %cond3A_22 {
      %run_scoped3A = arith.constant 0 : i32
      "tpu.region"() ({
        %run_scoped3A_28 = tpu.sem_alloc : memref<!tpu.dma_semaphore, #tpu.memory_space<semaphore_mem>>
        %dma_start3A = arith.constant 93840 : i32
        %dma_start3A_29 = tpu.memref_slice %arg8[%arg0, %run_scoped3A, %dma_start3A] : memref<2x3x100000xf32, #tpu.memory_space<hbm>> -> memref<1x1x6160xf32, #tpu.memory_space<hbm>>
        %dma_start3A_30 = tpu.memref_squeeze %dma_start3A_29 : memref<1x1x6160xf32, #tpu.memory_space<hbm>> -> memref<6160xf32, #tpu.memory_space<hbm>>
        %dma_start3A_31 = arith.constant 93840 : i32
        %dma_start3A_32 = tpu.memref_slice %arg13[%dma_start3A_31] : memref<100000xf32, #tpu.memory_space<vmem_shared>> -> memref<6160xf32, #tpu.memory_space<vmem_shared>>
        tpu.enqueue_dma source(%dma_start3A_32 : memref<6160xf32, #tpu.memory_space<vmem_shared>>) target(%dma_start3A_30 : memref<6160xf32, #tpu.memory_space<hbm>>) target_semaphore(%run_scoped3A_28 : memref<!tpu.dma_semaphore, #tpu.memory_space<semaphore_mem>>)
        %dma_wait3A = arith.constant 93840 : i32
        %dma_wait3A_33 = tpu.memref_slice %arg8[%arg0, %run_scoped3A, %dma_wait3A] : memref<2x3x100000xf32, #tpu.memory_space<hbm>> -> memref<1x1x6160xf32, #tpu.memory_space<hbm>>
        %dma_wait3A_34 = tpu.memref_squeeze %dma_wait3A_33 : memref<1x1x6160xf32, #tpu.memory_space<hbm>> -> memref<6160xf32, #tpu.memory_space<hbm>>
        %dma_wait3A_35 = arith.constant 93840 : i32
        %dma_wait3A_36 = tpu.memref_slice %arg13[%dma_wait3A_35] : memref<100000xf32, #tpu.memory_space<vmem_shared>> -> memref<6160xf32, #tpu.memory_space<vmem_shared>>
        tpu.wait_dma2 semaphore(%run_scoped3A_28 : memref<!tpu.dma_semaphore, #tpu.memory_space<semaphore_mem>>) src(%dma_wait3A_36 : memref<6160xf32, #tpu.memory_space<vmem_shared>>) dst(%dma_wait3A_34 : memref<6160xf32, #tpu.memory_space<hbm>>)
        tpu.yield
      }) : () -> ()
      %run_scoped3A_23 = arith.constant 0 : i32
      "tpu.region"() ({
        %run_scoped3A_28 = tpu.sem_alloc : memref<!tpu.dma_semaphore, #tpu.memory_space<semaphore_mem>>
        %dma_start3A = arith.constant 93840 : i32
        %dma_start3A_29 = tpu.memref_slice %arg9[%arg0, %run_scoped3A_23, %dma_start3A] : memref<2x3x100000xf32, #tpu.memory_space<hbm>> -> memref<1x1x6160xf32, #tpu.memory_space<hbm>>
        %dma_start3A_30 = tpu.memref_squeeze %dma_start3A_29 : memref<1x1x6160xf32, #tpu.memory_space<hbm>> -> memref<6160xf32, #tpu.memory_space<hbm>>
        %dma_start3A_31 = arith.constant 93840 : i32
        %dma_start3A_32 = tpu.memref_slice %arg16[%dma_start3A_31] : memref<100000xf32, #tpu.memory_space<vmem_shared>> -> memref<6160xf32, #tpu.memory_space<vmem_shared>>
        tpu.enqueue_dma source(%dma_start3A_32 : memref<6160xf32, #tpu.memory_space<vmem_shared>>) target(%dma_start3A_30 : memref<6160xf32, #tpu.memory_space<hbm>>) target_semaphore(%run_scoped3A_28 : memref<!tpu.dma_semaphore, #tpu.memory_space<semaphore_mem>>)
        %dma_wait3A = arith.constant 93840 : i32
        %dma_wait3A_33 = tpu.memref_slice %arg9[%arg0, %run_scoped3A_23, %dma_wait3A] : memref<2x3x100000xf32, #tpu.memory_space<hbm>> -> memref<1x1x6160xf32, #tpu.memory_space<hbm>>
        %dma_wait3A_34 = tpu.memref_squeeze %dma_wait3A_33 : memref<1x1x6160xf32, #tpu.memory_space<hbm>> -> memref<6160xf32, #tpu.memory_space<hbm>>
        %dma_wait3A_35 = arith.constant 93840 : i32
        %dma_wait3A_36 = tpu.memref_slice %arg16[%dma_wait3A_35] : memref<100000xf32, #tpu.memory_space<vmem_shared>> -> memref<6160xf32, #tpu.memory_space<vmem_shared>>
        tpu.wait_dma2 semaphore(%run_scoped3A_28 : memref<!tpu.dma_semaphore, #tpu.memory_space<semaphore_mem>>) src(%dma_wait3A_36 : memref<6160xf32, #tpu.memory_space<vmem_shared>>) dst(%dma_wait3A_34 : memref<6160xf32, #tpu.memory_space<hbm>>)
        tpu.yield
      }) : () -> ()
      %run_scoped3A_24 = arith.constant 1 : i32
      "tpu.region"() ({
        %run_scoped3A_28 = tpu.sem_alloc : memref<!tpu.dma_semaphore, #tpu.memory_space<semaphore_mem>>
        %dma_start3A = arith.constant 93840 : i32
        %dma_start3A_29 = tpu.memref_slice %arg8[%arg0, %run_scoped3A_24, %dma_start3A] : memref<2x3x100000xf32, #tpu.memory_space<hbm>> -> memref<1x1x6160xf32, #tpu.memory_space<hbm>>
        %dma_start3A_30 = tpu.memref_squeeze %dma_start3A_29 : memref<1x1x6160xf32, #tpu.memory_space<hbm>> -> memref<6160xf32, #tpu.memory_space<hbm>>
        %dma_start3A_31 = arith.constant 93840 : i32
        %dma_start3A_32 = tpu.memref_slice %arg14[%dma_start3A_31] : memref<100000xf32, #tpu.memory_space<vmem_shared>> -> memref<6160xf32, #tpu.memory_space<vmem_shared>>
        tpu.enqueue_dma source(%dma_start3A_32 : memref<6160xf32, #tpu.memory_space<vmem_shared>>) target(%dma_start3A_30 : memref<6160xf32, #tpu.memory_space<hbm>>) target_semaphore(%run_scoped3A_28 : memref<!tpu.dma_semaphore, #tpu.memory_space<semaphore_mem>>)
        %dma_wait3A = arith.constant 93840 : i32
        %dma_wait3A_33 = tpu.memref_slice %arg8[%arg0, %run_scoped3A_24, %dma_wait3A] : memref<2x3x100000xf32, #tpu.memory_space<hbm>> -> memref<1x1x6160xf32, #tpu.memory_space<hbm>>
        %dma_wait3A_34 = tpu.memref_squeeze %dma_wait3A_33 : memref<1x1x6160xf32, #tpu.memory_space<hbm>> -> memref<6160xf32, #tpu.memory_space<hbm>>
        %dma_wait3A_35 = arith.constant 93840 : i32
        %dma_wait3A_36 = tpu.memref_slice %arg14[%dma_wait3A_35] : memref<100000xf32, #tpu.memory_space<vmem_shared>> -> memref<6160xf32, #tpu.memory_space<vmem_shared>>
        tpu.wait_dma2 semaphore(%run_scoped3A_28 : memref<!tpu.dma_semaphore, #tpu.memory_space<semaphore_mem>>) src(%dma_wait3A_36 : memref<6160xf32, #tpu.memory_space<vmem_shared>>) dst(%dma_wait3A_34 : memref<6160xf32, #tpu.memory_space<hbm>>)
        tpu.yield
      }) : () -> ()
      %run_scoped3A_25 = arith.constant 1 : i32
      "tpu.region"() ({
        %run_scoped3A_28 = tpu.sem_alloc : memref<!tpu.dma_semaphore, #tpu.memory_space<semaphore_mem>>
        %dma_start3A = arith.constant 93840 : i32
        %dma_start3A_29 = tpu.memref_slice %arg9[%arg0, %run_scoped3A_25, %dma_start3A] : memref<2x3x100000xf32, #tpu.memory_space<hbm>> -> memref<1x1x6160xf32, #tpu.memory_space<hbm>>
        %dma_start3A_30 = tpu.memref_squeeze %dma_start3A_29 : memref<1x1x6160xf32, #tpu.memory_space<hbm>> -> memref<6160xf32, #tpu.memory_space<hbm>>
        %dma_start3A_31 = arith.constant 93840 : i32
        %dma_start3A_32 = tpu.memref_slice %arg17[%dma_start3A_31] : memref<100000xf32, #tpu.memory_space<vmem_shared>> -> memref<6160xf32, #tpu.memory_space<vmem_shared>>
        tpu.enqueue_dma source(%dma_start3A_32 : memref<6160xf32, #tpu.memory_space<vmem_shared>>) target(%dma_start3A_30 : memref<6160xf32, #tpu.memory_space<hbm>>) target_semaphore(%run_scoped3A_28 : memref<!tpu.dma_semaphore, #tpu.memory_space<semaphore_mem>>)
        %dma_wait3A = arith.constant 93840 : i32
        %dma_wait3A_33 = tpu.memref_slice %arg9[%arg0, %run_scoped3A_25, %dma_wait3A] : memref<2x3x100000xf32, #tpu.memory_space<hbm>> -> memref<1x1x6160xf32, #tpu.memory_space<hbm>>
        %dma_wait3A_34 = tpu.memref_squeeze %dma_wait3A_33 : memref<1x1x6160xf32, #tpu.memory_space<hbm>> -> memref<6160xf32, #tpu.memory_space<hbm>>
        %dma_wait3A_35 = arith.constant 93840 : i32
        %dma_wait3A_36 = tpu.memref_slice %arg17[%dma_wait3A_35] : memref<100000xf32, #tpu.memory_space<vmem_shared>> -> memref<6160xf32, #tpu.memory_space<vmem_shared>>
        tpu.wait_dma2 semaphore(%run_scoped3A_28 : memref<!tpu.dma_semaphore, #tpu.memory_space<semaphore_mem>>) src(%dma_wait3A_36 : memref<6160xf32, #tpu.memory_space<vmem_shared>>) dst(%dma_wait3A_34 : memref<6160xf32, #tpu.memory_space<hbm>>)
        tpu.yield
      }) : () -> ()
      %run_scoped3A_26 = arith.constant 2 : i32
      "tpu.region"() ({
        %run_scoped3A_28 = tpu.sem_alloc : memref<!tpu.dma_semaphore, #tpu.memory_space<semaphore_mem>>
        %dma_start3A = arith.constant 93840 : i32
        %dma_start3A_29 = tpu.memref_slice %arg8[%arg0, %run_scoped3A_26, %dma_start3A] : memref<2x3x100000xf32, #tpu.memory_space<hbm>> -> memref<1x1x6160xf32, #tpu.memory_space<hbm>>
        %dma_start3A_30 = tpu.memref_squeeze %dma_start3A_29 : memref<1x1x6160xf32, #tpu.memory_space<hbm>> -> memref<6160xf32, #tpu.memory_space<hbm>>
        %dma_start3A_31 = arith.constant 93840 : i32
        %dma_start3A_32 = tpu.memref_slice %arg15[%dma_start3A_31] : memref<100000xf32, #tpu.memory_space<vmem_shared>> -> memref<6160xf32, #tpu.memory_space<vmem_shared>>
        tpu.enqueue_dma source(%dma_start3A_32 : memref<6160xf32, #tpu.memory_space<vmem_shared>>) target(%dma_start3A_30 : memref<6160xf32, #tpu.memory_space<hbm>>) target_semaphore(%run_scoped3A_28 : memref<!tpu.dma_semaphore, #tpu.memory_space<semaphore_mem>>)
        %dma_wait3A = arith.constant 93840 : i32
        %dma_wait3A_33 = tpu.memref_slice %arg8[%arg0, %run_scoped3A_26, %dma_wait3A] : memref<2x3x100000xf32, #tpu.memory_space<hbm>> -> memref<1x1x6160xf32, #tpu.memory_space<hbm>>
        %dma_wait3A_34 = tpu.memref_squeeze %dma_wait3A_33 : memref<1x1x6160xf32, #tpu.memory_space<hbm>> -> memref<6160xf32, #tpu.memory_space<hbm>>
        %dma_wait3A_35 = arith.constant 93840 : i32
        %dma_wait3A_36 = tpu.memref_slice %arg15[%dma_wait3A_35] : memref<100000xf32, #tpu.memory_space<vmem_shared>> -> memref<6160xf32, #tpu.memory_space<vmem_shared>>
        tpu.wait_dma2 semaphore(%run_scoped3A_28 : memref<!tpu.dma_semaphore, #tpu.memory_space<semaphore_mem>>) src(%dma_wait3A_36 : memref<6160xf32, #tpu.memory_space<vmem_shared>>) dst(%dma_wait3A_34 : memref<6160xf32, #tpu.memory_space<hbm>>)
        tpu.yield
      }) : () -> ()
      %run_scoped3A_27 = arith.constant 2 : i32
      "tpu.region"() ({
        %run_scoped3A_28 = tpu.sem_alloc : memref<!tpu.dma_semaphore, #tpu.memory_space<semaphore_mem>>
        %dma_start3A = arith.constant 93840 : i32
        %dma_start3A_29 = tpu.memref_slice %arg9[%arg0, %run_scoped3A_27, %dma_start3A] : memref<2x3x100000xf32, #tpu.memory_space<hbm>> -> memref<1x1x6160xf32, #tpu.memory_space<hbm>>
        %dma_start3A_30 = tpu.memref_squeeze %dma_start3A_29 : memref<1x1x6160xf32, #tpu.memory_space<hbm>> -> memref<6160xf32, #tpu.memory_space<hbm>>
        %dma_start3A_31 = arith.constant 93840 : i32
        %dma_start3A_32 = tpu.memref_slice %arg18[%dma_start3A_31] : memref<100000xf32, #tpu.memory_space<vmem_shared>> -> memref<6160xf32, #tpu.memory_space<vmem_shared>>
        tpu.enqueue_dma source(%dma_start3A_32 : memref<6160xf32, #tpu.memory_space<vmem_shared>>) target(%dma_start3A_30 : memref<6160xf32, #tpu.memory_space<hbm>>) target_semaphore(%run_scoped3A_28 : memref<!tpu.dma_semaphore, #tpu.memory_space<semaphore_mem>>)
        %dma_wait3A = arith.constant 93840 : i32
        %dma_wait3A_33 = tpu.memref_slice %arg9[%arg0, %run_scoped3A_27, %dma_wait3A] : memref<2x3x100000xf32, #tpu.memory_space<hbm>> -> memref<1x1x6160xf32, #tpu.memory_space<hbm>>
        %dma_wait3A_34 = tpu.memref_squeeze %dma_wait3A_33 : memref<1x1x6160xf32, #tpu.memory_space<hbm>> -> memref<6160xf32, #tpu.memory_space<hbm>>
        %dma_wait3A_35 = arith.constant 93840 : i32
        %dma_wait3A_36 = tpu.memref_slice %arg18[%dma_wait3A_35] : memref<100000xf32, #tpu.memory_space<vmem_shared>> -> memref<6160xf32, #tpu.memory_space<vmem_shared>>
        tpu.wait_dma2 semaphore(%run_scoped3A_28 : memref<!tpu.dma_semaphore, #tpu.memory_space<semaphore_mem>>) src(%dma_wait3A_36 : memref<6160xf32, #tpu.memory_space<vmem_shared>>) dst(%dma_wait3A_34 : memref<6160xf32, #tpu.memory_space<hbm>>)
        tpu.yield
      }) : () -> ()
    } else {
    }
    return
  }
}

module attributes {stable_mosaic.version = 14 : i64} {
  func.func @_combine_body(%arg0: i32, %arg1: memref<6x8192xf32, #tpu.memory_space<vmem>>, %arg2: memref<6x8192xf32, #tpu.memory_space<vmem>>, %arg3: memref<3x8192xf32, #tpu.memory_space<vmem>>) attributes {dimension_semantics = [#tpu.dimension_semantics<arbitrary>], iteration_bounds = array<i64: 13>, scalar_prefetch = 0 : i64, scratch_operands = 0 : i64, tpu.core_type = #tpu.core_type<tc>, window_params = [{transform_indices = @transform_0, window_bounds = array<i64: 6, 8192>}, {transform_indices = @transform_1, window_bounds = array<i64: 6, 8192>}, {transform_indices = @transform_2, window_bounds = array<i64: 3, 8192>}]} {
    %get3A = arith.constant 0 : index
    %get3A_0 = arith.constant 0 : index
    %get3A_1 = vector.load %arg1[%get3A, %get3A_0] : memref<6x8192xf32, #tpu.memory_space<vmem>>, vector<3x8192xf32>
    %get3A_2 = arith.constant 3 : index
    %get3A_3 = arith.constant 0 : index
    %get3A_4 = vector.load %arg1[%get3A_2, %get3A_3] : memref<6x8192xf32, #tpu.memory_space<vmem>>, vector<3x8192xf32>
    %add3A = arith.addf %get3A_1, %get3A_4 : vector<3x8192xf32>
    %get3A_5 = arith.constant 0 : index
    %get3A_6 = arith.constant 0 : index
    %get3A_7 = vector.load %arg2[%get3A_5, %get3A_6] : memref<6x8192xf32, #tpu.memory_space<vmem>>, vector<3x8192xf32>
    %get3A_8 = arith.constant 3 : index
    %get3A_9 = arith.constant 0 : index
    %get3A_10 = vector.load %arg2[%get3A_8, %get3A_9] : memref<6x8192xf32, #tpu.memory_space<vmem>>, vector<3x8192xf32>
    %add3A_11 = arith.addf %get3A_7, %get3A_10 : vector<3x8192xf32>
    %sub3A = arith.subf %add3A, %add3A_11 : vector<3x8192xf32>
    %swap3A = arith.constant 0 : index
    %swap3A_12 = arith.constant 0 : index
    %swap3A_13 = vector.load %arg3[%swap3A, %swap3A_12] : memref<3x8192xf32, #tpu.memory_space<vmem>>, vector<3x8192xf32>
    tpu.vector_store %arg3[%swap3A, %swap3A_12], %sub3A {strides = array<i32>} : memref<3x8192xf32, #tpu.memory_space<vmem>>, vector<3x8192xf32>,
    return
  }
  func.func @transform_0(%arg0: i32) -> (i32, i32) {
    %c0_i32 = arith.constant 0 : i32
    %c0_i32_0 = arith.constant 0 : i32
    return %c0_i32, %arg0 : i32, i32
  }
  func.func @transform_1(%arg0: i32) -> (i32, i32) {
    %c0_i32 = arith.constant 0 : i32
    %c0_i32_0 = arith.constant 0 : i32
    return %c0_i32, %arg0 : i32, i32
  }
  func.func @transform_2(%arg0: i32) -> (i32, i32) {
    %c0_i32 = arith.constant 0 : i32
    %c0_i32_0 = arith.constant 0 : i32
    return %c0_i32, %arg0 : i32, i32
  }
}

</mosaic_0001>

<sc_bundles>
// kernel: kernel.4.cloned.1.call-start
scs
__scs_entry_jumppad:
0x0: {  	(pc) =	sbr.rel $0x88, $3  }
0x1: {  	(tag) =	ssettag $0x0;
	lr =	simm.s32 $0x1  }
0x2: {  	[smem:$0x3F9E] =	sst lr;
	_ =	strace $0xD0000000  }
0x3: {  	_ = 	snop  }
0x4: {  	_ = 	snop  }
0x5: {  	_ = 	snop  }
0x6: {  	_ = 	snop  }
0x7: {  	_ = 	snop  }
__scs_overlays_trampoline_lowered:
0x8: {  	[smem:$0x3FAD] =	sst s0  }
0x9: {  	[smem:$0x3FAE] =	sst s1  }
0xa: {  	[smem:$0x3FAF] =	sst s2  }
0xb: {  	[smem:$0x3FB0] =	sst s3  }
0xc: {  	[smem:$0x3FB1] =	sst s4  }
0xd: {  	[smem:$0x3FB2] =	sst s5  }
0xe: {  	[smem:$0x3FB3] =	sst s6  }
0xf: {  	[smem:$0x3FB4] =	sst s7  }
0x10: {  	[smem:$0x3FB5] =	sst s8  }
0x11: {  	[smem:$0x3FB6] =	sst s9;
	s0 =	simm.s32 @!p0 $0x0  }
0x12: {  	s1 =	sld [smem:$0x3F9C];
	s0 =	simm.s32 @p0 $0x1  }
0x13: {  	[smem:$0x3FB7] =	sst s0;
	s0 =	simm.s32 @!p1 $0x0  }
0x14: {  	s2 =	sld [smem:$0x3F9B];
	s0 =	simm.s32 @p1 $0x1  }
0x15: {  	[smem:$0x3FB8] =	sst s0;
	s0 =	simm.s32 @!p2 $0x0  }
0x16: {  	s3 =	sld [smem:$0x3FDB];
	s0 =	simm.s32 @p2 $0x1  }
0x17: {  	s4 =	simm.s32 $0x1BF5;
	[smem:$0x3FBA] =	sst s0  }
0x18: {  	s0 =	sld [smem:$0x3F9D];
	_ =	swait.ge [sflag:s4], $0x0  }
0x19: {  	s7 =	sld [smem:$0x3F9E]  }
0x1a: {  	s8 =	sadd.s32 $0xFFFFE003, lr  }
0x1b: {  	s9 =	sadd.s32 $0xFFFFFEF7, lr;
	s5 =	simm.s32 $0xFFFFFFFF;
	p2 =	slt.u32 s8, $0xFFFFF086  }
0x1c: {  	p1 =	slt.u32 s9, $0xF7A;
	s5 =	simm.s32 @!p2 $0x0  }
0x1d: {  	s5 =	simm.s32 @p1 $0x1;
	p0 =	seq.s32 s7, s2  }
0x1e: {  	s7 =	smul.u32 @!p0 $0xF7A, s2;
	p2 =	seq.s32 @!p0 s5, $0x0  }
0x1f: {  	s9 =	smul.u32 $0xF7A, s1;
	s8 =	simm.s32 @!p0 $0x1BF5;
	p2 =	por !p2, p0  }
0x20: {  	[sflag:s8] =	ssyncset.s32 @!p0 $0xFFFFF086;
	s6 =	sadd.s32 @!p0 s3, s7;
	s7 =	simm.s32 @!p0 $0x108  }
0x21: {  	s3 =	sadd.s32 s3, s9;
	s6 =	sadd.s32 @!p0 $0x88, s6;
	s7 =	simm.s32 @p2 $0x1082  }
0x22: {  	[simem:s7], [sflag:s8] =	dma.local @!p0 [hbm:s6], $0xF7A  }
0x23: {  	s9 =	sor.u32 $0xD0000000, s2;
	s6 =	simm.s32 $0x108;
	_ =	swait.ge @!p0 [sflag:s8], $0x0  }
0x24: {  	s3 =	sadd.s32 $0x88, s3;
	s6 =	simm.s32 @!p1 $0x1082;
	[sflag:s4] =	ssyncset.s32 $0xFFFFF086  }
0x25: {  	[simem:s6], [sflag:s4] =	dma.local [hbm:s3], $0xF7A  }
0x26: {  	[smem:$0x3F9E] =	sst s1;
	(tag) =	ssettag s2;
	_ =	strace s9  }
0x27: {  	s1 =	sld [smem:$0x3FAE]  }
0x28: {  	s2 =	sld [smem:$0x3FAF]  }
0x29: {  	s4 =	sld [smem:$0x3FB1]  }
0x2a: {  	p0 =	seq.s32 s5, $0x0;
	s5 =	sld [smem:$0x3FB2]  }
0x2b: {  	s6 =	sld [smem:$0x3FB3]  }
0x2c: {  	s7 =	sld [smem:$0x3FB4]  }
0x2d: {  	s3 =	simm.s32 $0x108;
	s8 =	sld [smem:$0x3FB5]  }
0x2e: {  	s3 =	simm.s32 @!p0 $0x1082;
	s9 =	sld [smem:$0x3FB6]  }
0x2f: {  	lr =	sadd.s32 s0, s3;
	s0 =	sld [smem:$0x3FAD]  }
0x30: {  	s3 =	sld [smem:$0x3FB0]  }
0x31: {  	[smem:$0x3FB9] =	sst s10  }
0x32: {  	s10 =	sld [smem:$0x3FB7];
	_ =	sdelay $0x3  }
0x33: {  	p0 =	seq.s32 s10, $0x1;
	s10 =	sld [smem:$0x3FB9];
	_ =	sdelay $0x3  }
0x34: {  	[smem:$0x3FB9] =	sst s10  }
0x35: {  	s10 =	sld [smem:$0x3FB8];
	_ =	sdelay $0x3  }
0x36: {  	p1 =	seq.s32 s10, $0x1;
	s10 =	sld [smem:$0x3FB9];
	_ =	sdelay $0x3  }
0x37: {  	[smem:$0x3FB9] =	sst s10  }
0x38: {  	s10 =	sld [smem:$0x3FBA]  }
0x39: {  	_ = 	snop;
	(pc) =	sbr.ind lr, $3  }
0x3a: {  	_ = 	snop  }
0x3b: {  	_ = 	snop  }
0x3c: {  	p2 =	seq.s32 s10, $0x1;
	s10 =	sld [smem:$0x3FB9]  }
0x3d: {  	_ =	shalt  }
0x3e: {  	_ =	shalt  }
0x3f: {  	_ =	shalt  }
0x40: {  	_ =	shalt  }
0x41: {  	_ =	shalt  }
0x42: {  	_ =	shalt  }
0x43: {  	_ =	shalt  }
0x44: {  	_ =	shalt  }
0x45: {  	_ =	shalt  }
0x46: {  	_ =	shalt  }
0x47: {  	_ =	shalt  }
0x48: {  	_ =	shalt  }
0x49: {  	_ =	shalt  }
0x4a: {  	_ =	shalt  }
0x4b: {  	_ =	shalt  }
0x4c: {  	_ =	shalt  }
0x4d: {  	_ =	shalt  }
0x4e: {  	_ =	shalt  }
0x4f: {  	_ =	shalt  }
0x50: {  	_ =	shalt  }
0x51: {  	_ =	shalt  }
0x52: {  	_ =	shalt  }
0x53: {  	_ =	shalt  }
0x54: {  	_ =	shalt  }
0x55: {  	_ =	shalt  }
0x56: {  	_ =	shalt  }
0x57: {  	_ =	shalt  }
0x58: {  	_ =	shalt  }
0x59: {  	_ =	shalt  }
0x5a: {  	_ =	shalt  }
0x5b: {  	_ =	shalt  }
0x5c: {  	_ =	shalt  }
0x5d: {  	_ =	shalt  }
0x5e: {  	_ =	shalt  }
0x5f: {  	_ =	shalt  }
0x60: {  	_ =	shalt  }
0x61: {  	_ =	shalt  }
0x62: {  	_ =	shalt  }
0x63: {  	_ =	shalt  }
0x64: {  	_ =	shalt  }
0x65: {  	_ =	shalt  }
0x66: {  	_ =	shalt  }
0x67: {  	_ =	shalt  }
0x68: {  	_ =	shalt  }
0x69: {  	_ =	shalt  }
0x6a: {  	_ =	shalt  }
0x6b: {  	_ =	shalt  }
0x6c: {  	_ =	shalt  }
0x6d: {  	_ =	shalt  }
0x6e: {  	_ =	shalt  }
0x6f: {  	_ =	shalt  }
0x70: {  	_ =	shalt  }
0x71: {  	_ =	shalt  }
0x72: {  	_ =	shalt  }
0x73: {  	_ =	shalt  }
0x74: {  	_ =	shalt  }
0x75: {  	_ =	shalt  }
0x76: {  	_ =	shalt  }
0x77: {  	_ =	shalt  }
0x78: {  	_ =	shalt  }
0x79: {  	_ =	shalt  }
0x7a: {  	_ =	shalt  }
0x7b: {  	_ =	shalt  }
0x7c: {  	_ =	shalt  }
0x7d: {  	_ =	shalt  }
0x7e: {  	_ =	shalt  }
0x7f: {  	_ =	shalt  }
0x80: {  	_ =	shalt  }
0x81: {  	_ =	shalt  }
0x82: {  	_ =	shalt  }
0x83: {  	_ =	shalt  }
0x84: {  	_ =	shalt  }
0x85: {  	_ =	shalt  }
0x86: {  	_ =	shalt  }
0x87: {  	_ =	shalt  }
.Lfunc_end0:
.L_simem_size_0:
called_computation_lowered:
.L_overlay_start_0:
0x88: {  	s2 =	sld [smem:$0x3FD9]  }
0x89: {  	s3 =	sld [smem:$0x3FFE];
	_ =	sdelay $0x1  }
0x8a: {  	s1 =	srdreg.scid  }
0x8b: {  	s0 =	sand.u32 $0x1, s1  }
0x8c: {  	s17 =	sshll.u32 s0, $0xA;
	s2 =	sadd.s32 s3, s2  }
0x8d: {  	s2 =	sadd.s32 s2, s17  }
0x8e: {  	[smem:$0x3FC5] =	sst s2  }
0x8f: {  	_ = 	snop  }
0x90: {  	s2 =	sld [smem:$0x3FC8]  }
0x91: {  	s18 =	sld [smem:$0x3FC7]  }
0x92: {  	s4 =	sld [smem:$0x3FD0];
	(tm) =	ssettm $0x1  }
0x93: {  	s5 =	sld [smem:$0x3FFB];
	_ =	sdelay $0x3  }
0x94: {  	_ =	strace s5  }
0x95: {  	s5 =	sld [smem:$0x3FFC];
	_ =	sdelay $0x3  }
0x96: {  	_ =	strace s5  }
0x97: {  	s5 =	sld [smem:$0x3FFD];
	_ =	sdelay $0x3  }
0x98: {  	_ =	strace s5  }
0x99: {  	_ =	strace $0x8FFFFFFF  }
0x9a: {  	s19 =	sld [smem:$0x3FDB];
	_ =	sdelay $0x1  }
0x9b: {  	s6 =	simm.s32 $_scs_section_size  }
0x9c: {  	s7 =	simm.s32 $_size__tile_overlayer_lowered;
	s8 =	simm.s32 $_tile_overlayer_lowered  }
0x9d: {  	s22 =	simm.s32 $0x1BFF;
	s21 =	sshll.u32 s8, $0x1;
	s5 =	sadd.s32 s6, s19  }
0x9e: {  	s9 =	simm.s32 $0x0;
	s20 =	sshll.u32 s7, $0x1;
	s7 =	sadd.s32 s21, s5  }
0x9f: {  	[timem:s9], [sflag:s22] =	dma.local [hbm:s7], s20  }
0xa0: {  	_ =	swait.ge [sflag:s22], s20  }
0xa1: {  	s6 =	ssub.s32 $0x0, s20;
	[sflag:s22] =	ssyncset.done $0x0  }
0xa2: {  	[sflag:s22] =	ssyncadd.s32 s6;
	_ =	sdelay $0x1  }
0xa3: {  	s23 =	simm.s32 $0x1B8B  }
0xa4: {  	_ =	swait.ge [sflag:s23], $0x1  }
0xa5: {  	[sflag:s23] =	ssyncset.done $0x0  }
0xa6: {  	s25 =	simm.s32 $0x1B8E;
	s24 =	sld [smem:$0x3FFE];
	[sflag:s23] =	ssyncadd.s32 $0xFFFFFFFF  }
0xa7: {  	s26 =	simm.s32 $execute0_lowered;
	[smem:$0x3FD2] =	sst s25  }
0xa8: {  	s7 =	sshll.u32 s26, $0x1;
	_ =	strace $0x80000046;
	[dreg:$0x1] =	wrdreg $0xFFFFFFFF  }
0xa9: {  	s28 =	simm.s32 $_size_execute0_lowered;
	s5 =	sadd.s32 s5, s7;
	[dreg:$0x0] =	wrdreg $0x0  }
0xaa: {  	s7 =	sshll.u32 s28, $0x1;
	[dreg:$0x2] =	wrdreg s5  }
0xab: {  	[dreg:$0x3] =	wrdreg s7  }
0xac: {  	[dreg:$0x4] =	wrdreg $0xC0  }
0xad: {  	_ =	task [dreg:s9], $0x5FFFF  }
0xae: {  	[dreg:$0x1] =	wrdreg $0xFFFFFFFF  }
0xaf: {  	[dreg:$0x0] =	wrdreg $0x60  }
0xb0: {  	[dreg:$0x2] =	wrdreg s2  }
0xb1: {  	[dreg:$0x3] =	wrdreg s18  }
0xb2: {  	[dreg:$0x4] =	wrdreg s24  }
0xb3: {  	[dreg:$0x5] =	wrdreg s4  }
0xb4: {  	[dreg:$0x6] =	wrdreg $0x28000  }
0xb5: {  	[dreg:$0x7] =	wrdreg $0x40700  }
0xb6: {  	[dreg:$0x8] =	wrdreg $0x58E00  }
0xb7: {  	[dreg:$0x9] =	wrdreg $0x71500  }
0xb8: {  	[dreg:$0xa] =	wrdreg $0x89C00  }
0xb9: {  	[dreg:$0xb] =	wrdreg $0xA2300  }
0xba: {  	[dreg:$0xc] =	wrdreg $0x9  }
0xbb: {  	_ =	task.clear_ibuf [dreg:s9], $0xDFFFF;
	_ =	strace $0x90000046  }
0xbc: {  	s29 =	simm.s32 $0x9;
	_ =	strace $0x80000048  }
0xbd: {  	_ =	swait.ge [sflag:s29], $0x1  }
0xbe: {  	[sflag:s29] =	ssyncadd.s32 $0xFFFFFFFF  }
0xbf: {  	_ =	strace $0x90000048  }
0xc0: {  	_ =	sfence  }
0xc1: {  	s30 =	sld [smem:$0x0];
	_ =	sdelay $0x2  }
0xc2: {  	s31 =	sshll.u32 s1, $0xD;
	s1 =	sshrl.u32 s1, $0x2  }
0xc3: {  	s3 =	sand.u32 $0x4000, s31;
	s1 =	sadd.s32 s1, s30  }
0xc4: {  	s0 =	sor.u32 s3, s0;
	s1 =	sshll.u32 s1, $0x11  }
0xc5: {  	s0 =	sor.u32 s1, s0  }
0xc6: {  	s0 =	sadd.s32 $0x8F2B, s0  }
0xc7: {  	[sflag:s0] =	ssyncadd.remote.s32 $0x1  }
0xc8: {  	_ =	sfence.sel $0xFFFF  }
0xc9: {  	[dreg:$0x0] =	wrdreg $0xFFFFFFFF;
	(pc) =	sbr.abs _section_cstart, $3  }
0xca: {  	[dreg:$0x1] =	wrdreg $0xFFFFFFFF  }
0xcb: {  	_ =	task.clear_ibuf [dreg:s9], $0x2FFFF;
	_ =	strace $0x9FFFFFFF  }
0xcc: {  	(tm) =	ssettm $0x7FFFFFFF  }
0xcd: {  	_ =	shalt  }
tec
execute0_lowered:
.L_overlay_start_1:
0x0: {  	(tag) =	ssettag $0x1  }
0x1: {  	s0 =	rddreg [dreg:$0x0]  }
0x2: {  	s6 =	rddreg [dreg:$0x1]  }
0x3: {  	s7 =	rddreg [dreg:$0x2]  }
0x4: {  	s8 =	rddreg [dreg:$0x3]  }
0x5: {  	s17 =	stileid.u32;
	s3 =	srdreg.scid  }
0x6: {  	s1 =	rddreg [dreg:$0x4];
	s9 =	sand.u32 $0x1, s3;
	s10 =	smul.u32 $0x1870, s17  }
0x7: {  	s2 =	rddreg [dreg:$0x5];
	s11 =	smul.u32 $0x493E0, s9  }
0x8: {  	s4 =	rddreg [dreg:$0x7]  }
0x9: {  	s5 =	simm.s32 $0x0;
	s3 =	rddreg [dreg:$0x6];
	s13 =	sadd.s32 s10, s11  }
0xa: {  	[smem:$0x7FF] =	sst s5;
	s14 =	sadd.s32 $0x25D200, s7;
	s13 =	sshrl.u32 s13, $0x3  }
0xb: {  	s16 =	sadd.s32 $0x24AC00, s7;
	s11 =	sshrl.u32 s11, $0x3;
	s18 =	sadd.s32 s14, s13  }
0xc: {  	s23 =	sadd.s32 $0x2DD2, s11;
	s20 =	sadd.s32 s16, s13;
	[dreg:$0xb] =	wrdreg s18  }
0xd: {  	s25 =	sadd.s32 $0x5EA6, s11;
	s24 =	sadd.s32 s14, s23;
	[dreg:$0xc] =	wrdreg s20  }
0xe: {  	s11 =	sadd.s32 $0x8F7A, s11;
	s26 =	sadd.s32 s14, s25;
	[dreg:$0x11] =	wrdreg s24  }
0xf: {  	s12 =	ssub.s32 $0x2, s9;
	s28 =	sadd.s32 s14, s11;
	[dreg:$0x13] =	wrdreg s26  }
0x10: {  	s15 =	sshrl.u32 s12, $0x1;
	s11 =	sadd.s32 s16, s11;
	[dreg:$0x15] =	wrdreg s28  }
0x11: {  	s12 =	ssub.s32 s12, s15;
	s19 =	sadd.s32 $0x30D4, s13;
	[dreg:$0x16] =	wrdreg s11  }
0x12: {  	s21 =	sadd.s32 s14, s19;
	s15 =	sadd.s32 s16, s19;
	s19 =	rddreg [dreg:$0x8]  }
0x13: {  	s29 =	sshll.u32 s17, $0x9;
	s13 =	sadd.s32 $0x61A8, s13;
	[dreg:$0xd] =	wrdreg s21  }
0x14: {  	s6 =	sadd.s32 s29, s6;
	s22 =	sadd.s32 s14, s13;
	[dreg:$0xe] =	wrdreg s15  }
0x15: {  	s30 =	sshll.u32 s9, $0x8;
	s13 =	sadd.s32 s16, s13;
	[dreg:$0xf] =	wrdreg s22  }
0x16: {  	s0 =	sadd.s32 s29, s0;
	s20 =	sadd.s32 s30, s6;
	[dreg:$0x10] =	wrdreg s13  }
0x17: {  	s6 =	sshll.u32 s17, $0x1;
	s13 =	sadd.s32 s16, s23;
	s22 =	rddreg [dreg:$0x9]  }
0x18: {  	s21 =	sadd.s32 s30, s0;
	s0 =	sor.u32 s9, s6;
	[dreg:$0x12] =	wrdreg s13  }
0x19: {  	s13 =	sadd.s32 s16, s25;
	[dreg:$0x17] =	wrdreg s0  }
0x1a: {  	s9 =	sadd.s32 s10, s1;
	[dreg:$0x14] =	wrdreg s13  }
0x1b: {  	s13 =	sadd.s32 s10, s2;
	_ =	strace $0x80000047;
	[dreg:$0x18] =	wrdreg s9  }
0x1c: {  	s14 =	sadd.s32 s10, s3;
	[dreg:$0x19] =	wrdreg s13  }
0x1d: {  	s15 =	sadd.s32 s10, s4;
	[dreg:$0x1a] =	wrdreg s14  }
0x1e: {  	s16 =	sadd.s32 s10, s19;
	[dreg:$0x1b] =	wrdreg s15  }
0x1f: {  	s7 =	sadd.s32 s29, s7;
	s18 =	sadd.s32 s10, s22;
	[dreg:$0x1c] =	wrdreg s16  }
0x20: {  	s29 =	sadd.s32 $0x16E90, s4;
	s23 =	smax.u32 s12, $0x1;
	[dreg:$0x1d] =	wrdreg s18  }
0x21: {  	s31 =	sadd.s32 s30, s7;
	s25 =	sadd.s32 $0x16E90, s1;
	[dreg:$0x1e] =	wrdreg s23  }
0x22: {  	s7 =	sshrl.u32 s10, $0x3;
	s26 =	sadd.s32 $0x16E90, s2;
	[dreg:$0x1f] =	wrdreg s25  }
0x23: {  	s24 =	sadd.s32 s8, s7;
	s28 =	sadd.s32 $0x16E90, s3;
	[smem:$0x7F9] =	sst s26  }
0x24: {  	s7 =	sadd.s32 $0xC4000, s31;
	s6 =	sadd.s32 $0xA00, s31;
	[smem:$0x7FA] =	sst s28  }
0x25: {  	s30 =	sadd.s32 $0x16E90, s19;
	s18 =	sadd.s32 $0x2DD2, s8;
	[smem:$0x7FB] =	sst s29  }
0x26: {  	s8 =	sadd.s32 $0x187600, s31;
	[smem:$0x7FC] =	sst s30;
	s31 =	sadd.s32 $0x16E90, s22  }
0x27: {  	p0 =	seq.s32 s17, $0xF;
	[smem:$0x7FD] =	sst s31  }
.LBB2_1:
0x28: {  	s0 =	rddreg [dreg:$0x1f]  }
0x29: {  	s0 =	sshrl.u32 @p0 s0, $0x3  }
0x2a: {  	s9 =	simm.s32 @p0 $0x1FC2;
	s10 =	simm.s32 @p0 $0x2;
	[smem:$0x7F2] =	sst s0  }
0x2b: {  	[spmem:s0], [sflag:s9] =	dma.local @p0 [hbm:s18], $0x302  }
0x2c: {  	_ =	swait.ge @p0 [sflag:s10], $0x302  }
0x2d: {  	s0 =	sld [smem:$0x7F9];
	_ =	sdelay $0x2  }
0x2e: {  	[sflag:s10] =	ssyncset.done @p0 $0x0;
	s0 =	sshrl.u32 @p0 s0, $0x3  }
0x2f: {  	[sflag:s10] =	ssyncadd.s32 @p0 $0xFFFFFCFE;
	[smem:$0x7F3] =	sst s0  }
0x30: {  	[spmem:s0], [sflag:s9] =	dma.local @p0 [hbm:s18], $0x302  }
0x31: {  	_ =	swait.ge @p0 [sflag:s10], $0x302  }
0x32: {  	s0 =	sld [smem:$0x7FA];
	_ =	sdelay $0x2  }
0x33: {  	[sflag:s10] =	ssyncset.done @p0 $0x0;
	s0 =	sshrl.u32 @p0 s0, $0x3  }
0x34: {  	[sflag:s10] =	ssyncadd.s32 @p0 $0xFFFFFCFE;
	[smem:$0x7F4] =	sst s0  }
0x35: {  	[spmem:s0], [sflag:s9] =	dma.local @p0 [hbm:s18], $0x302  }
0x36: {  	_ =	swait.ge @p0 [sflag:s10], $0x302  }
0x37: {  	s0 =	sld [smem:$0x7FB];
	_ =	sdelay $0x1  }
0x38: {  	[sflag:s10] =	ssyncset.done @p0 $0x0  }
0x39: {  	[sflag:s10] =	ssyncadd.s32 @p0 $0xFFFFFCFE;
	s0 =	sshrl.u32 @p0 s0, $0x3  }
0x3a: {  	[spmem:s0], [sflag:s9] =	dma.local @p0 [hbm:s18], $0x302  }
0x3b: {  	_ =	swait.ge @p0 [sflag:s10], $0x302  }
0x3c: {  	s11 =	sld [smem:$0x7FC];
	_ =	sdelay $0x1  }
0x3d: {  	[sflag:s10] =	ssyncset.done @p0 $0x0  }
0x3e: {  	[sflag:s10] =	ssyncadd.s32 @p0 $0xFFFFFCFE;
	s31 =	sshrl.u32 @p0 s11, $0x3  }
0x3f: {  	[spmem:s31], [sflag:s9] =	dma.local @p0 [hbm:s18], $0x302  }
0x40: {  	_ =	swait.ge @p0 [sflag:s10], $0x302  }
0x41: {  	s11 =	sld [smem:$0x7FD];
	_ =	sdelay $0x2  }
0x42: {  	[sflag:s10] =	ssyncset.done @p0 $0x0;
	s11 =	sshrl.u32 @p0 s11, $0x3  }
0x43: {  	[sflag:s10] =	ssyncadd.s32 @p0 $0xFFFFFCFE;
	[smem:$0x7F5] =	sst s11  }
0x44: {  	[spmem:s11], [sflag:s9] =	dma.local @p0 [hbm:s18], $0x302  }
0x45: {  	s9 =	stileid.u32  }
0x46: {  	_ =	swait.ge @p0 [sflag:s10], $0x302;
	s9 =	sshll.u32 @!p0 s9, $0x6  }
0x47: {  	s15 =	sor.u32 @!p0 $0x1C02, s9;
	s9 =	rddreg [dreg:$0x18]  }
0x48: {  	[sflag:s10] =	ssyncset.done @p0 $0x0;
	s9 =	sshrl.u32 @!p0 s9, $0x3  }
0x49: {  	s12 =	simm.s32 @!p0 $0x2;
	[sflag:s10] =	ssyncadd.s32 @p0 $0xFFFFFCFE;
	[smem:$0x7F6] =	sst s9  }
0x4a: {  	[spmem:s9], [sflag:s15] =	dma.local @!p0 [hbm:s24], $0x30E  }
0x4b: {  	_ =	swait.ge @!p0 [sflag:s12], $0x30E  }
0x4c: {  	s9 =	rddreg [dreg:$0x19]  }
0x4d: {  	[sflag:s12] =	ssyncset.done @!p0 $0x0;
	s9 =	sshrl.u32 @!p0 s9, $0x3  }
0x4e: {  	[sflag:s12] =	ssyncadd.s32 @!p0 $0xFFFFFCF2;
	[smem:$0x7F7] =	sst s9  }
0x4f: {  	[spmem:s9], [sflag:s15] =	dma.local @!p0 [hbm:s24], $0x30E  }
0x50: {  	_ =	swait.ge @!p0 [sflag:s12], $0x30E  }
0x51: {  	s9 =	rddreg [dreg:$0x1a]  }
0x52: {  	[sflag:s12] =	ssyncset.done @!p0 $0x0;
	s9 =	sshrl.u32 @!p0 s9, $0x3  }
0x53: {  	[sflag:s12] =	ssyncadd.s32 @!p0 $0xFFFFFCF2;
	[smem:$0x7F8] =	sst s9  }
0x54: {  	[spmem:s9], [sflag:s15] =	dma.local @!p0 [hbm:s24], $0x30E  }
0x55: {  	_ =	swait.ge @!p0 [sflag:s12], $0x30E  }
0x56: {  	[sflag:s12] =	ssyncset.done @!p0 $0x0;
	s9 =	rddreg [dreg:$0x1b]  }
0x57: {  	[sflag:s12] =	ssyncadd.s32 @!p0 $0xFFFFFCF2;
	s11 =	sshrl.u32 @!p0 s9, $0x3  }
0x58: {  	[spmem:s11], [sflag:s15] =	dma.local @!p0 [hbm:s24], $0x30E  }
0x59: {  	_ =	swait.ge @!p0 [sflag:s12], $0x30E  }
0x5a: {  	[sflag:s12] =	ssyncset.done @!p0 $0x0;
	s9 =	rddreg [dreg:$0x1c]  }
0x5b: {  	[sflag:s12] =	ssyncadd.s32 @!p0 $0xFFFFFCF2;
	s10 =	sshrl.u32 @!p0 s9, $0x3  }
0x5c: {  	[spmem:s10], [sflag:s15] =	dma.local @!p0 [hbm:s24], $0x30E  }
0x5d: {  	_ =	swait.ge @!p0 [sflag:s12], $0x30E  }
0x5e: {  	[sflag:s12] =	ssyncset.done @!p0 $0x0;
	s9 =	rddreg [dreg:$0x1d]  }
0x5f: {  	[sflag:s12] =	ssyncadd.s32 @!p0 $0xFFFFFCF2;
	s9 =	sshrl.u32 @!p0 s9, $0x3  }
0x60: {  	[spmem:s9], [sflag:s15] =	dma.local @!p0 [hbm:s24], $0x30E  }
0x61: {  	_ =	swait.ge @!p0 [sflag:s12], $0x30E  }
0x62: {  	[sflag:s12] =	ssyncset.done @!p0 $0x0  }
0x63: {  	[sflag:s12] =	ssyncadd.s32 @!p0 $0xFFFFFCF2  }
0x64: {  	[bflag:$0x0] =	sbarrier.arrive $0xFFFF  }
0x65: {  	s26 =	rddreg [dreg:$0x17]  }
0x66: {  	p1 =	sgt.u32 s26, $0xC34  }
0x67: {  	s12 =	sadd.s32 @!p1 $0x0, s21;
	s13 =	simm.s32 @!p1 $0x0;
	s14 =	simm.s32 @!p1 $0x2  }
0x68: {  	[tilespmem:s13], [sflag:$0x2] =	stream.linear.gather @!p1 [hbm4b:s12+s13], $0x800, $0x38;
	[tilespmem:$0xBAA0] =	vst v63  }
0x69: {  	_ =	swait.ge @!p1 [sflag:s14], $0x800;
	p1 =	por p1, p1  }
0x6a: {  	[sflag:s14] =	ssyncset.done @!p1 $0x0  }
0x6b: {  	s12 =	sadd.s32 @!p1 $0x0, s20;
	s16 =	simm.s32 @!p1 $0x800;
	[sflag:s14] =	ssyncadd.s32 @!p1 $0xFFFFF800  }
0x6c: {  	[tilespmem:s16], [sflag:$0x2] =	stream.linear.gather @!p1 [hbm4b:s12+s13], $0x800, $0x38;
	[tilespmem:$0xBAA0] =	vst v63  }
0x6d: {  	_ =	swait.ge @!p1 [sflag:s14], $0x800  }
0x6e: {  	[sflag:s14] =	ssyncset.done @!p1 $0x0  }
0x6f: {  	s23 =	simm.s32 @!p1 $0x1000;
	s12 =	sadd.s32 @!p1 $0x0, s8;
	[sflag:s14] =	ssyncadd.s32 @!p1 $0xFFFFF800  }
0x70: {  	[tilespmem:s23], [sflag:$0x2] =	stream.linear.gather @!p1 [hbm4b:s12+s13], $0x800, $0x38;
	[tilespmem:$0xBAA0] =	vst v63  }
0x71: {  	_ =	swait.ge @!p1 [sflag:s14], $0x800  }
0x72: {  	[sflag:s14] =	ssyncset.done @!p1 $0x0  }
0x73: {  	s17 =	simm.s32 @!p1 $0x1800;
	s12 =	sadd.s32 @!p1 $0x0, s7;
	[sflag:s14] =	ssyncadd.s32 @!p1 $0xFFFFF800  }
0x74: {  	[tilespmem:s17], [sflag:$0x2] =	stream.linear.gather @!p1 [hbm4b:s12+s13], $0x800, $0x38;
	[tilespmem:$0xBAA0] =	vst v63  }
0x75: {  	_ =	swait.ge @!p1 [sflag:s14], $0x800  }
0x76: {  	[sflag:s14] =	ssyncset.done @!p1 $0x0  }
0x77: {  	s25 =	simm.s32 @!p1 $0x2000;
	s12 =	sadd.s32 @!p1 $0x0, s6;
	[sflag:s14] =	ssyncadd.s32 @!p1 $0xFFFFF800  }
0x78: {  	[tilespmem:s25], [sflag:$0x2] =	stream.linear.gather @!p1 [hbm4b:s12+s13], $0x800, $0x38;
	[tilespmem:$0xBAA0] =	vst v63  }
0x79: {  	_ =	swait.ge @!p1 [sflag:s14], $0x800  }
0x7a: {  	[sflag:s14] =	ssyncset.done @!p1 $0x0  }
0x7b: {  	[sflag:s14] =	ssyncadd.s32 @!p1 $0xFFFFF800  }
0x7c: {  	[spmem:s1] =	stream.indirect.scatter.add.f32 @!p1 [tilespmem:s23], [sflag:$0x1], $0x1, s13, s16, $0xb8;
	[tilespmem:$0xBAA0] =	vst v63  }
0x7d: {  	_ = 	snop  }
0x7e: {  	[spmem:s4] =	stream.indirect.scatter.add.f32 @!p1 [tilespmem:s23], [sflag:$0x1], $0x1, s16, s16, $0xb8;
	[tilespmem:$0xBAA0] =	vst v63  }
0x7f: {  	_ = 	snop  }
0x80: {  	[spmem:s2] =	stream.indirect.scatter.add.f32 @!p1 [tilespmem:s17], [sflag:$0x1], $0x1, s13, s16, $0xb8;
	[tilespmem:$0xBAA0] =	vst v63  }
0x81: {  	_ = 	snop  }
0x82: {  	[spmem:s19] =	stream.indirect.scatter.add.f32 @!p1 [tilespmem:s17], [sflag:$0x1], $0x1, s16, s16, $0xb8;
	[tilespmem:$0xBAA0] =	vst v63  }
0x83: {  	_ = 	snop  }
0x84: {  	[spmem:s3] =	stream.indirect.scatter.add.f32 @!p1 [tilespmem:s25], [sflag:$0x1], $0x1, s13, s16, $0xb8;
	[tilespmem:$0xBAA0] =	vst v63  }
0x85: {  	s23 =	simm.s32 @!p1 $0x1  }
0x86: {  	[spmem:s22] =	stream.indirect.scatter.add.f32 @!p1 [tilespmem:s25], [sflag:$0x1], $0x1, s16, s16, $0xb8;
	[tilespmem:$0xBAA0] =	vst v63  }
0x87: {  	_ =	swait.ge @!p1 [sflag:s23], $0x800  }
0x88: {  	[sflag:s23] =	ssyncset.done @!p1 $0x0  }
0x89: {  	[sflag:s23] =	ssyncadd.s32 @!p1 $0xFFFFF800  }
0x8a: {  	_ =	swait.ge @!p1 [sflag:s23], $0x800  }
0x8b: {  	[sflag:s23] =	ssyncset.done @!p1 $0x0  }
0x8c: {  	[sflag:s23] =	ssyncadd.s32 @!p1 $0xFFFFF800  }
0x8d: {  	_ =	swait.ge @!p1 [sflag:s23], $0x800  }
0x8e: {  	[sflag:s23] =	ssyncset.done @!p1 $0x0  }
0x8f: {  	[sflag:s23] =	ssyncadd.s32 @!p1 $0xFFFFF800  }
0x90: {  	_ =	swait.ge @!p1 [sflag:s23], $0x800  }
0x91: {  	[sflag:s23] =	ssyncset.done @!p1 $0x0  }
0x92: {  	[sflag:s23] =	ssyncadd.s32 @!p1 $0xFFFFF800  }
0x93: {  	_ =	swait.ge @!p1 [sflag:s23], $0x800  }
0x94: {  	[sflag:s23] =	ssyncset.done @!p1 $0x0  }
0x95: {  	s12 =	simm.s32 $0x2000;
	s13 =	sadd.s32 $0x20, s26;
	[sflag:s23] =	ssyncadd.s32 @!p1 $0xFFFFF800  }
0x96: {  	s14 =	simm.s32 $0x4000;
	p3 =	sgt.u32 s13, $0xC34;
	_ =	swait.ge @!p1 [sflag:s23], $0x800  }
.LBB2_2:
0x97: {  	s17 =	sadd.s32 @!p3 s12, s21  }
0x98: {  	s16 =	simm.s32 @!p3 $0x0;
	[sflag:s23] =	ssyncset.done @!p1 $0x0;
	s25 =	smov.u32 s14  }
0x99: {  	s14 =	sadd.s32 $0x2000, s14;
	s26 =	simm.s32 @!p3 $0x2;
	[sflag:s23] =	ssyncadd.s32 @!p1 $0xFFFFF800  }
0x9a: {  	[tilespmem:s16], [sflag:$0x2] =	stream.linear.gather @!p3 [hbm4b:s17+s16], $0x800, $0x38;
	[tilespmem:$0xBAA0] =	vst v63  }
0x9b: {  	p2 =	sne.s32 s14, $0xC4000;
	p1 =	por p3, p3;
	_ =	swait.ge @!p3 [sflag:s26], $0x800  }
0x9c: {  	s17 =	sadd.s32 @!p1 s12, s20;
	s28 =	simm.s32 @!p1 $0x800;
	[sflag:s26] =	ssyncset.done @!p1 $0x0  }
0x9d: {  	[sflag:s26] =	ssyncadd.s32 @!p1 $0xFFFFF800  }
0x9e: {  	[tilespmem:s28], [sflag:$0x2] =	stream.linear.gather @!p1 [hbm4b:s17+s16], $0x800, $0x38;
	[tilespmem:$0xBAA0] =	vst v63  }
0x9f: {  	_ =	swait.ge @!p1 [sflag:s26], $0x800  }
0xa0: {  	s23 =	simm.s32 @!p1 $0x1000;
	s17 =	sadd.s32 @!p1 s12, s8;
	[sflag:s26] =	ssyncset.done @!p1 $0x0  }
0xa1: {  	[sflag:s26] =	ssyncadd.s32 @!p1 $0xFFFFF800  }
0xa2: {  	[tilespmem:s23], [sflag:$0x2] =	stream.linear.gather @!p1 [hbm4b:s17+s16], $0x800, $0x38;
	[tilespmem:$0xBAA0] =	vst v63  }
0xa3: {  	_ =	swait.ge @!p1 [sflag:s26], $0x800  }
0xa4: {  	s29 =	simm.s32 @!p1 $0x1800;
	s17 =	sadd.s32 @!p1 s12, s7;
	[sflag:s26] =	ssyncset.done @!p1 $0x0  }
0xa5: {  	[sflag:s26] =	ssyncadd.s32 @!p1 $0xFFFFF800  }
0xa6: {  	[tilespmem:s29], [sflag:$0x2] =	stream.linear.gather @!p1 [hbm4b:s17+s16], $0x800, $0x38;
	[tilespmem:$0xBAA0] =	vst v63  }
0xa7: {  	_ =	swait.ge @!p1 [sflag:s26], $0x800  }
0xa8: {  	s30 =	simm.s32 @!p1 $0x2000;
	s17 =	sadd.s32 @!p1 s12, s6;
	[sflag:s26] =	ssyncset.done @!p1 $0x0  }
0xa9: {  	s12 =	smov.u32 s25;
	[sflag:s26] =	ssyncadd.s32 @!p1 $0xFFFFF800  }
0xaa: {  	[tilespmem:s30], [sflag:$0x2] =	stream.linear.gather @!p1 [hbm4b:s17+s16], $0x800, $0x38;
	[tilespmem:$0xBAA0] =	vst v63  }
0xab: {  	_ =	swait.ge @!p1 [sflag:s26], $0x800  }
0xac: {  	[sflag:s26] =	ssyncset.done @!p1 $0x0  }
0xad: {  	[sflag:s26] =	ssyncadd.s32 @!p1 $0xFFFFF800  }
0xae: {  	[spmem:s1] =	stream.indirect.scatter.add.f32 @!p1 [tilespmem:s23], [sflag:$0x1], $0x1, s16, s28, $0xb8;
	[tilespmem:$0xBAA0] =	vst v63  }
0xaf: {  	_ = 	snop  }
0xb0: {  	[spmem:s4] =	stream.indirect.scatter.add.f32 @!p1 [tilespmem:s23], [sflag:$0x1], $0x1, s28, s28, $0xb8;
	[tilespmem:$0xBAA0] =	vst v63  }
0xb1: {  	_ = 	snop  }
0xb2: {  	[spmem:s2] =	stream.indirect.scatter.add.f32 @!p1 [tilespmem:s29], [sflag:$0x1], $0x1, s16, s28, $0xb8;
	[tilespmem:$0xBAA0] =	vst v63  }
0xb3: {  	_ = 	snop  }
0xb4: {  	[spmem:s19] =	stream.indirect.scatter.add.f32 @!p1 [tilespmem:s29], [sflag:$0x1], $0x1, s28, s28, $0xb8;
	[tilespmem:$0xBAA0] =	vst v63  }
0xb5: {  	_ = 	snop  }
0xb6: {  	[spmem:s3] =	stream.indirect.scatter.add.f32 @!p1 [tilespmem:s30], [sflag:$0x1], $0x1, s16, s28, $0xb8;
	[tilespmem:$0xBAA0] =	vst v63  }
0xb7: {  	s23 =	simm.s32 @!p1 $0x1  }
0xb8: {  	[spmem:s22] =	stream.indirect.scatter.add.f32 @!p1 [tilespmem:s30], [sflag:$0x1], $0x1, s28, s28, $0xb8;
	[tilespmem:$0xBAA0] =	vst v63  }
0xb9: {  	_ =	swait.ge @!p1 [sflag:s23], $0x800  }
0xba: {  	[sflag:s23] =	ssyncset.done @!p1 $0x0  }
0xbb: {  	[sflag:s23] =	ssyncadd.s32 @!p1 $0xFFFFF800  }
0xbc: {  	_ =	swait.ge @!p1 [sflag:s23], $0x800  }
0xbd: {  	[sflag:s23] =	ssyncset.done @!p1 $0x0  }
0xbe: {  	[sflag:s23] =	ssyncadd.s32 @!p1 $0xFFFFF800  }
0xbf: {  	_ =	swait.ge @!p1 [sflag:s23], $0x800  }
0xc0: {  	[sflag:s23] =	ssyncset.done @!p1 $0x0  }
0xc1: {  	[sflag:s23] =	ssyncadd.s32 @!p1 $0xFFFFF800  }
0xc2: {  	_ =	swait.ge @!p1 [sflag:s23], $0x800  }
0xc3: {  	[sflag:s23] =	ssyncset.done @!p1 $0x0  }
.Ltmp0:
0xc4: {  	[sflag:s23] =	ssyncadd.s32 @!p1 $0xFFFFF800;
	(pc) =	sbr.rel @p2 .LBB2_2-.Ltmp0, $4  }
0xc5: {  	_ =	swait.ge @!p1 [sflag:s23], $0x800  }
0xc6: {  	[sflag:s23] =	ssyncset.done @!p1 $0x0  }
0xc7: {  	s13 =	sadd.s32 $0x20, s13;
	[sflag:s23] =	ssyncadd.s32 @!p1 $0xFFFFF800  }
0xc8: {  	p3 =	sgt.u32 s13, $0xC34;
	_ =	swait.ge @!p1 [sflag:s23], $0x800  }
0xc9: {  	s13 =	sadd.s32 @!p3 s12, s21;
	[sflag:s23] =	ssyncset.done @!p1 $0x0  }
0xca: {  	s14 =	simm.s32 @!p3 $0x0;
	s16 =	simm.s32 @!p3 $0x2;
	[sflag:s23] =	ssyncadd.s32 @!p1 $0xFFFFF800  }
0xcb: {  	[tilespmem:s14], [sflag:$0x2] =	stream.linear.gather @!p3 [hbm4b:s13+s14], $0x800, $0x38;
	[tilespmem:$0xBAA0] =	vst v63  }
0xcc: {  	p1 =	por p3, p3;
	_ =	swait.ge @!p3 [sflag:s16], $0x800  }
0xcd: {  	[sflag:s16] =	ssyncset.done @!p1 $0x0  }
0xce: {  	s13 =	sadd.s32 @!p1 s12, s20;
	s17 =	simm.s32 @!p1 $0x800;
	[sflag:s16] =	ssyncadd.s32 @!p1 $0xFFFFF800  }
0xcf: {  	[tilespmem:s17], [sflag:$0x2] =	stream.linear.gather @!p1 [hbm4b:s13+s14], $0x800, $0x38;
	[tilespmem:$0xBAA0] =	vst v63  }
0xd0: {  	_ =	swait.ge @!p1 [sflag:s16], $0x800  }
0xd1: {  	[sflag:s16] =	ssyncset.done @!p1 $0x0  }
0xd2: {  	s23 =	simm.s32 @!p1 $0x1000;
	s13 =	sadd.s32 @!p1 s12, s8;
	[sflag:s16] =	ssyncadd.s32 @!p1 $0xFFFFF800  }
0xd3: {  	[tilespmem:s23], [sflag:$0x2] =	stream.linear.gather @!p1 [hbm4b:s13+s14], $0x800, $0x38;
	[tilespmem:$0xBAA0] =	vst v63  }
0xd4: {  	_ =	swait.ge @!p1 [sflag:s16], $0x800  }
0xd5: {  	[sflag:s16] =	ssyncset.done @!p1 $0x0  }
0xd6: {  	s25 =	simm.s32 @!p1 $0x1800;
	s13 =	sadd.s32 @!p1 s12, s7;
	[sflag:s16] =	ssyncadd.s32 @!p1 $0xFFFFF800  }
0xd7: {  	[tilespmem:s25], [sflag:$0x2] =	stream.linear.gather @!p1 [hbm4b:s13+s14], $0x800, $0x38;
	[tilespmem:$0xBAA0] =	vst v63  }
0xd8: {  	_ =	swait.ge @!p1 [sflag:s16], $0x800  }
0xd9: {  	[sflag:s16] =	ssyncset.done @!p1 $0x0  }
0xda: {  	s12 =	sadd.s32 @!p1 s12, s6;
	s13 =	simm.s32 @!p1 $0x2000;
	[sflag:s16] =	ssyncadd.s32 @!p1 $0xFFFFF800  }
0xdb: {  	[tilespmem:s13], [sflag:$0x2] =	stream.linear.gather @!p1 [hbm4b:s12+s14], $0x800, $0x38;
	[tilespmem:$0xBAA0] =	vst v63  }
0xdc: {  	_ =	swait.ge @!p1 [sflag:s16], $0x800  }
0xdd: {  	[sflag:s16] =	ssyncset.done @!p1 $0x0  }
0xde: {  	[sflag:s16] =	ssyncadd.s32 @!p1 $0xFFFFF800  }
0xdf: {  	[spmem:s1] =	stream.indirect.scatter.add.f32 @!p1 [tilespmem:s23], [sflag:$0x1], $0x1, s14, s17, $0xb8;
	[tilespmem:$0xBAA0] =	vst v63  }
0xe0: {  	_ = 	snop  }
0xe1: {  	[spmem:s4] =	stream.indirect.scatter.add.f32 @!p1 [tilespmem:s23], [sflag:$0x1], $0x1, s17, s17, $0xb8;
	[tilespmem:$0xBAA0] =	vst v63  }
0xe2: {  	_ = 	snop  }
0xe3: {  	[spmem:s2] =	stream.indirect.scatter.add.f32 @!p1 [tilespmem:s25], [sflag:$0x1], $0x1, s14, s17, $0xb8;
	[tilespmem:$0xBAA0] =	vst v63  }
0xe4: {  	_ = 	snop  }
0xe5: {  	[spmem:s19] =	stream.indirect.scatter.add.f32 @!p1 [tilespmem:s25], [sflag:$0x1], $0x1, s17, s17, $0xb8;
	[tilespmem:$0xBAA0] =	vst v63  }
0xe6: {  	_ = 	snop  }
0xe7: {  	[spmem:s3] =	stream.indirect.scatter.add.f32 @!p1 [tilespmem:s13], [sflag:$0x1], $0x1, s14, s17, $0xb8;
	[tilespmem:$0xBAA0] =	vst v63  }
0xe8: {  	s12 =	simm.s32 @!p1 $0x1  }
0xe9: {  	[spmem:s22] =	stream.indirect.scatter.add.f32 @!p1 [tilespmem:s13], [sflag:$0x1], $0x1, s17, s17, $0xb8;
	[tilespmem:$0xBAA0] =	vst v63  }
0xea: {  	_ =	swait.ge @!p1 [sflag:s12], $0x800  }
0xeb: {  	[sflag:s12] =	ssyncset.done @!p1 $0x0  }
0xec: {  	[sflag:s12] =	ssyncadd.s32 @!p1 $0xFFFFF800  }
0xed: {  	_ =	swait.ge @!p1 [sflag:s12], $0x800  }
0xee: {  	[sflag:s12] =	ssyncset.done @!p1 $0x0  }
0xef: {  	[sflag:s12] =	ssyncadd.s32 @!p1 $0xFFFFF800  }
0xf0: {  	_ =	swait.ge @!p1 [sflag:s12], $0x800  }
0xf1: {  	[sflag:s12] =	ssyncset.done @!p1 $0x0  }
0xf2: {  	[sflag:s12] =	ssyncadd.s32 @!p1 $0xFFFFF800  }
0xf3: {  	_ =	swait.ge @!p1 [sflag:s12], $0x800  }
0xf4: {  	[sflag:s12] =	ssyncset.done @!p1 $0x0  }
0xf5: {  	[sflag:s12] =	ssyncadd.s32 @!p1 $0xFFFFF800  }
0xf6: {  	_ =	swait.ge @!p1 [sflag:s12], $0x800  }
0xf7: {  	[sflag:s12] =	ssyncset.done @!p1 $0x0  }
0xf8: {  	[sflag:s12] =	ssyncadd.s32 @!p1 $0xFFFFF800  }
0xf9: {  	_ =	swait.ge @!p1 [sflag:s12], $0x800  }
0xfa: {  	[sflag:s12] =	ssyncset.done @!p1 $0x0  }
0xfb: {  	[sflag:s12] =	ssyncadd.s32 @!p1 $0xFFFFF800  }
0xfc: {  	[bflag:$0x0] =	sbarrier.arrive $0xFFFF  }
0xfd: {  	s14 =	sld [smem:$0x7F2];
	_ =	sdelay $0x1  }
0xfe: {  	s12 =	simm.s32 @p0 $0x1FC2;
	s13 =	rddreg [dreg:$0x11]  }
0xff: {  	[hbm:s13], [sflag:s12] =	dma.local @p0 [spmem:s14], $0x302  }
0x100: {  	s13 =	simm.s32 @p0 $0x2  }
0x101: {  	_ =	swait.ge @p0 [sflag:s13], $0x302  }
0x102: {  	[sflag:s13] =	ssyncset.done @p0 $0x0  }
0x103: {  	s14 =	rddreg [dreg:$0x12];
	[sflag:s13] =	ssyncadd.s32 @p0 $0xFFFFFCFE  }
0x104: {  	[hbm:s14], [sflag:s12] =	dma.local @p0 [spmem:s0], $0x302  }
0x105: {  	_ =	swait.ge @p0 [sflag:s13], $0x302  }
0x106: {  	s14 =	sld [smem:$0x7F3]  }
0x107: {  	[sflag:s13] =	ssyncset.done @p0 $0x0  }
0x108: {  	s0 =	rddreg [dreg:$0x13];
	[sflag:s13] =	ssyncadd.s32 @p0 $0xFFFFFCFE  }
0x109: {  	[hbm:s0], [sflag:s12] =	dma.local @p0 [spmem:s14], $0x302  }
0x10a: {  	_ =	swait.ge @p0 [sflag:s13], $0x302  }
0x10b: {  	[sflag:s13] =	ssyncset.done @p0 $0x0  }
0x10c: {  	s0 =	rddreg [dreg:$0x14];
	[sflag:s13] =	ssyncadd.s32 @p0 $0xFFFFFCFE  }
0x10d: {  	[hbm:s0], [sflag:s12] =	dma.local @p0 [spmem:s31], $0x302  }
0x10e: {  	_ =	swait.ge @p0 [sflag:s13], $0x302  }
0x10f: {  	s14 =	sld [smem:$0x7F4]  }
0x110: {  	[sflag:s13] =	ssyncset.done @p0 $0x0  }
0x111: {  	s0 =	rddreg [dreg:$0x15];
	[sflag:s13] =	ssyncadd.s32 @p0 $0xFFFFFCFE  }
0x112: {  	[hbm:s0], [sflag:s12] =	dma.local @p0 [spmem:s14], $0x302  }
0x113: {  	_ =	swait.ge @p0 [sflag:s13], $0x302  }
0x114: {  	s14 =	sld [smem:$0x7F5]  }
0x115: {  	[sflag:s13] =	ssyncset.done @p0 $0x0  }
0x116: {  	s0 =	rddreg [dreg:$0x16];
	[sflag:s13] =	ssyncadd.s32 @p0 $0xFFFFFCFE  }
0x117: {  	[hbm:s0], [sflag:s12] =	dma.local @p0 [spmem:s14], $0x302  }
0x118: {  	_ =	swait.ge @p0 [sflag:s13], $0x302  }
0x119: {  	s12 =	sld [smem:$0x7F6]  }
0x11a: {  	[sflag:s13] =	ssyncset.done @p0 $0x0  }
0x11b: {  	s0 =	rddreg [dreg:$0xb];
	[sflag:s13] =	ssyncadd.s32 @p0 $0xFFFFFCFE  }
0x11c: {  	[hbm:s0], [sflag:s15] =	dma.local @!p0 [spmem:s12], $0x30E  }
0x11d: {  	s0 =	simm.s32 @!p0 $0x2  }
0x11e: {  	_ =	swait.ge @!p0 [sflag:s0], $0x30E  }
0x11f: {  	[sflag:s0] =	ssyncset.done @!p0 $0x0  }
0x120: {  	s12 =	rddreg [dreg:$0xc];
	[sflag:s0] =	ssyncadd.s32 @!p0 $0xFFFFFCF2  }
0x121: {  	[hbm:s12], [sflag:s15] =	dma.local @!p0 [spmem:s11], $0x30E  }
0x122: {  	_ =	swait.ge @!p0 [sflag:s0], $0x30E  }
0x123: {  	s12 =	sld [smem:$0x7F7]  }
0x124: {  	[sflag:s0] =	ssyncset.done @!p0 $0x0  }
0x125: {  	s11 =	rddreg [dreg:$0xd];
	[sflag:s0] =	ssyncadd.s32 @!p0 $0xFFFFFCF2  }
0x126: {  	[hbm:s11], [sflag:s15] =	dma.local @!p0 [spmem:s12], $0x30E  }
0x127: {  	_ =	swait.ge @!p0 [sflag:s0], $0x30E  }
0x128: {  	[sflag:s0] =	ssyncset.done @!p0 $0x0  }
0x129: {  	s11 =	rddreg [dreg:$0xe];
	[sflag:s0] =	ssyncadd.s32 @!p0 $0xFFFFFCF2  }
0x12a: {  	[hbm:s11], [sflag:s15] =	dma.local @!p0 [spmem:s10], $0x30E  }
0x12b: {  	_ =	swait.ge @!p0 [sflag:s0], $0x30E  }
0x12c: {  	s11 =	sld [smem:$0x7F8]  }
0x12d: {  	[sflag:s0] =	ssyncset.done @!p0 $0x0  }
0x12e: {  	s10 =	rddreg [dreg:$0xf];
	[sflag:s0] =	ssyncadd.s32 @!p0 $0xFFFFFCF2  }
0x12f: {  	[hbm:s10], [sflag:s15] =	dma.local @!p0 [spmem:s11], $0x30E  }
0x130: {  	_ =	swait.ge @!p0 [sflag:s0], $0x30E  }
0x131: {  	[sflag:s0] =	ssyncset.done @!p0 $0x0  }
0x132: {  	s10 =	rddreg [dreg:$0x10];
	[sflag:s0] =	ssyncadd.s32 @!p0 $0xFFFFFCF2  }
0x133: {  	[hbm:s10], [sflag:s15] =	dma.local @!p0 [spmem:s9], $0x30E  }
0x134: {  	_ =	swait.ge @!p0 [sflag:s0], $0x30E  }
0x135: {  	s5 =	sadd.s32 $0x1, s5;
	s31 =	rddreg [dreg:$0x1e]  }
0x136: {  	p1 =	sne.s32 s5, s31  }
.Ltmp1:
0x137: {  	_ = 	snop;
	(pc) =	sbr.rel @p1 .LBB2_1-.Ltmp1, $3  }
0x138: {  	_ =	sdelay $0x1  }
0x139: {  	[sflag:s0] =	ssyncset.done @!p0 $0x0  }
0x13a: {  	[sflag:s0] =	ssyncadd.s32 @!p0 $0xFFFFFCF2  }
0x13b: {  	_ =	sfence.sel $0x180000  }
0x13c: {  	[bflag:$0x0] =	sbarrier.arrive $0xFFFF  }
0x13d: {  	_ =	strace $0x90000047  }
0x13e: {  	s0 =	stileid.u32;
	[bflag:$0x2] =	sbarrier.arrive $0xFFFF  }
0x13f: {  	p0 =	sne.s32 s0, $0x0;
	s0 =	rddreg [dreg:$0xa]  }
0x140: {  	s0 =	sadd.s32 @!p0 $0x100000, s0  }
0x141: {  	[sflag:s0] =	ssyncadd.tile.s32 @!p0 $0x1;
	_ =	shalt  }
.Lfunc_end2:
_tile_overlayer_lowered:
.L_overlay_start_2:
0x142: {  	(tag) =	ssettag $0x2  }
0x143: {  	s0 =	rddreg [dreg:$0x0];
	s2 =	stileid.u32  }
0x144: {  	s1 =	rddreg [dreg:$0x1];
	p0 =	sne.s32 s2, $0x0  }
0x145: {  	s3 =	rddreg [dreg:$0x2];
	[bflag:$0x3] =	sbarrier.arrive $0xFFFF;
	s2 =	simm.s32 @!p0 $0x1C02  }
0x146: {  	[timem:s3], [sflag:s2] =	dma.local @!p0 [hbm:s0], s1  }
0x147: {  	s0 =	simm.s32 @!p0 $0x2  }
0x148: {  	_ =	swait.ge @!p0 [sflag:s0], s1  }
0x149: {  	s1 =	ssub.s32 @!p0 $0x0, s1;
	[sflag:s0] =	ssyncset.done @!p0 $0x0  }
0x14a: {  	[sflag:s0] =	ssyncadd.s32 @!p0 s1  }
0x14b: {  	[bflag:$0x3] =	sbarrier.arrive $0xFFFF  }
0x14c: {  	_ =	shalt  }

</sc_bundles>
